<compile_context>
chip_gen: v7x
topology: tpu7x:2x2x1
jax: 0.10.2.dev20260603
libtpu: 0.0.44.dev20260713+nightly
codegen_flags: <defaults>
</compile_context>

<pallas_src>
import functools

import jax
import jax.numpy as jnp
from jax import lax
from jax.experimental import pallas as pl
from jax.experimental.pallas import tpu as pltpu
from jax.experimental.pallas import tpu_sc as plsc

N = 10000
D = 128
E = 320000
NC, NS, L = 2, 16, 16
NW = NC * NS
NP = 10112
RPT = NP // NS
SINK = 10008
B = 48
CH = 210
CHP = CH + 2
EPT = E // NW

f32 = jnp.float32

_sc_mesh = plsc.VectorSubcoreMesh(
    core_axis_name="c", subcore_axis_name="s", num_cores=NC, num_subcores=NS
)


@functools.partial(
    pl.kernel,
    out_type=jax.ShapeDtypeStruct((NW, NP), f32),
    mesh=_sc_mesh,
    scratch_types=[
        pltpu.VMEM((2, 2, B), jnp.int32),
        pltpu.VMEM((NP,), f32),
        pltpu.SemaphoreType.DMA,
        pltpu.SemaphoreType.DMA,
    ],
    compiler_params=pltpu.CompilerParams(needs_layout_passes=False),
)
def _deg_kernel(sd_hbm, out_hbm, ring, hist, semi0, semi1):
    c = lax.axis_index("c")
    s = lax.axis_index("s")
    w = c * NS + s

    ones16 = jnp.full((L,), 1.0, f32)
    zeros16 = jnp.zeros((L,), f32)

    def zfill(i, carry):
        hist[pl.ds(i * L, L)] = zeros16
        return carry

    lax.fori_loop(0, NP // L, zfill, 0)

    pltpu.async_copy(sd_hbm.at[w, 0], ring.at[0], semi0)
    pltpu.async_copy(sd_hbm.at[w, 1], ring.at[1], semi1)

    def scat(b, j):
        for k in range(B // L):
            idx = ring[b, 1, pl.ds(k * L, L)]
            plsc.addupdate_scatter(hist, [idx], ones16)

    def body(g, carry):
        j = g * 2
        pltpu.make_async_copy(sd_hbm.at[w, j], ring.at[0], semi0).wait()
        scat(0, j)
        pltpu.async_copy(sd_hbm.at[w, j + 2], ring.at[0], semi0)
        pltpu.make_async_copy(sd_hbm.at[w, j + 1], ring.at[1], semi1).wait()
        scat(1, j + 1)
        pltpu.async_copy(sd_hbm.at[w, j + 3], ring.at[1], semi1)
        return carry

    lax.fori_loop(0, CH // 2, body, 0)
    pltpu.make_async_copy(sd_hbm.at[w, CH], ring.at[0], semi0).wait()
    pltpu.make_async_copy(sd_hbm.at[w, CH + 1], ring.at[1], semi1).wait()
    pltpu.sync_copy(hist, out_hbm.at[w])


@functools.partial(
    pl.kernel,
    out_type=jax.ShapeDtypeStruct((NC, NP, D), f32),
    mesh=_sc_mesh,
    scratch_types=[
        pltpu.VMEM((2, 2, B), jnp.int32),
        pltpu.VMEM((B, D), f32),
        pltpu.VMEM((B, D), f32),
        pltpu.VMEM_SHARED((NP, D), f32),
        pltpu.SemaphoreType.DMA,
        pltpu.SemaphoreType.DMA,
        pltpu.SemaphoreType.DMA,
        pltpu.SemaphoreType.DMA,
    ],
)
def _agg_kernel(h_hbm, sd_hbm, out_hbm,
                ring, buf0, buf1, acc, semi0, semi1, semg0, semg1):
    c = lax.axis_index("c")
    s = lax.axis_index("s")
    w = c * NS + s

    zeros16 = jnp.zeros((L,), f32)

    def zrow(i, carry):
        for k in range(D // L):
            buf0[i, pl.ds(k * L, L)] = zeros16
        return carry

    lax.fori_loop(0, B, zrow, 0)

    base = s * RPT

    def zcopy(i, carry):
        pltpu.sync_copy(buf0, acc.at[pl.ds(base + i * B, B)])
        return carry

    nfull = RPT // B
    lax.fori_loop(0, nfull, zcopy, 0)
    rem = RPT - nfull * B
    pltpu.sync_copy(buf0.at[pl.ds(0, rem)], acc.at[pl.ds(base + RPT - rem, rem)])
    plsc.subcore_barrier()

    pltpu.async_copy(sd_hbm.at[w, 0], ring.at[0], semi0)
    pltpu.async_copy(sd_hbm.at[w, 1], ring.at[1], semi1)
    pltpu.make_async_copy(sd_hbm.at[w, 0], ring.at[0], semi0).wait()
    pltpu.async_copy(h_hbm.at[ring.at[0, 0]], buf0, semg0)

    def body(g, carry):
        j = g * 2
        pltpu.make_async_copy(sd_hbm.at[w, j + 1], ring.at[1], semi1).wait()
        pltpu.make_async_copy(h_hbm.at[ring.at[0, 0]], buf0, semg0).wait()
        pltpu.async_copy(h_hbm.at[ring.at[1, 0]], buf1, semg1)
        pltpu.sync_copy(buf0, acc.at[ring.at[0, 1]], add=True)
        pltpu.async_copy(sd_hbm.at[w, j + 2], ring.at[0], semi0)
        pltpu.make_async_copy(h_hbm.at[ring.at[1, 0]], buf1, semg1).wait()
        pltpu.make_async_copy(sd_hbm.at[w, j + 2], ring.at[0], semi0).wait()
        pltpu.async_copy(h_hbm.at[ring.at[0, 0]], buf0, semg0)
        pltpu.sync_copy(buf1, acc.at[ring.at[1, 1]], add=True)
        pltpu.async_copy(sd_hbm.at[w, j + 3], ring.at[1], semi1)
        return carry

    lax.fori_loop(0, CH // 2, body, 0)
    pltpu.make_async_copy(h_hbm.at[ring.at[0, 0]], buf0, semg0).wait()
    pltpu.make_async_copy(sd_hbm.at[w, CH + 1], ring.at[1], semi1).wait()
    plsc.subcore_barrier()
    pltpu.sync_copy(acc.at[pl.ds(base, RPT)], out_hbm.at[c, pl.ds(base, RPT)])


def _tc1_body(x_ref, w_ref, degs_ref, h1p_ref, dinv_ref):
    deg = jnp.sum(degs_ref[...], axis=1, keepdims=True) + 1.0
    dinv = lax.rsqrt(deg)
    dinv_ref[...] = dinv
    h = jnp.dot(x_ref[...], w_ref[...], preferred_element_type=f32)
    h1p_ref[...] = h * dinv[:N]


def _tc2_body(acc_ref, hp_ref, dinv_ref, b_ref, w_ref, out_ref):
    dinv = dinv_ref[...][:N]
    agg = acc_ref[0, :N, :] + acc_ref[1, :N, :] + hp_ref[...]
    x2 = jnp.maximum(agg * dinv + b_ref[...][None, :], 0.0)
    out_ref[...] = jnp.dot(x2, w_ref[...], preferred_element_type=f32) * dinv


def _tc3_body(acc_ref, hp_ref, dinv_ref, b_ref, out_ref):
    dinv = dinv_ref[...][:N]
    agg = acc_ref[0, :N, :] + acc_ref[1, :N, :] + hp_ref[...]
    out_ref[...] = jnp.maximum(agg * dinv + b_ref[...][None, :], 0.0)


_tc1 = pl.pallas_call(
    _tc1_body,
    out_shape=(
        jax.ShapeDtypeStruct((N, D), f32),
        jax.ShapeDtypeStruct((NP, 1), f32),
    ),
)
_tc2 = pl.pallas_call(_tc2_body, out_shape=jax.ShapeDtypeStruct((N, D), f32))
_tc3 = pl.pallas_call(_tc3_body, out_shape=jax.ShapeDtypeStruct((N, D), f32))


def kernel(x, edge_index, batch, W1, b1, W2, b2):
    pad = CHP * B - EPT
    src = edge_index[0].astype(jnp.int32).reshape(NW, EPT)
    dst = edge_index[1].astype(jnp.int32).reshape(NW, EPT)
    src = jnp.concatenate([src, jnp.zeros((NW, pad), jnp.int32)], axis=1)
    dst = jnp.concatenate([dst, jnp.full((NW, pad), SINK, jnp.int32)], axis=1)
    sd = jnp.stack(
        [src.reshape(NW, CHP, B), dst.reshape(NW, CHP, B)], axis=2)

    degs = _deg_kernel(sd)
    h1p, dinv = _tc1(x, W1, degs.T)
    acc1 = _agg_kernel(h1p, sd)
    h2p = _tc2(acc1, h1p, dinv, b1, W2)
    acc2 = _agg_kernel(h2p, sd)
    return _tc3(acc2, h2p, dinv, b2)

# --- scband reference (transcript-rebuilt; emitter-appended) ---
"""Pipeline reference for scband-simple-gnn-30580167147629 (READ-ONLY COPY).

The authoritative reference and input builder live on the scoring server;
editing this copy changes nothing except your own understanding.
"""

import jax, jax.numpy as jnp
import numpy as np

N_NODES = 10000
N_EDGES = 320000
IN_DIM = 128
HID = 128


def setup_inputs(seed: int = 0) -> dict:
    key = jax.random.key(seed)
    k_x, k_e, k_b, k_w1, k_b1, k_w2, k_b2 = jax.random.split(key, 7)
    x = jax.random.normal(k_x, (N_NODES, IN_DIM), dtype=jnp.float32)
    edge_index = jax.random.randint(k_e, (2, N_EDGES), 0, N_NODES, dtype=jnp.int64)
    batch = jnp.sort(jax.random.randint(k_b, (N_NODES,), 0, 16, dtype=jnp.int64))
    # GCNConv parameters (Glorot-style init for weights, zeros for bias)
    s1 = 1.0 / np.sqrt(IN_DIM)
    s2 = 1.0 / np.sqrt(HID)
    W1 = jax.random.uniform(k_w1, (IN_DIM, HID), dtype=jnp.float32, minval=-s1, maxval=s1)
    b1 = jnp.zeros((HID,), dtype=jnp.float32)
    W2 = jax.random.uniform(k_w2, (HID, HID), dtype=jnp.float32, minval=-s2, maxval=s2)
    b2 = jnp.zeros((HID,), dtype=jnp.float32)
    return {"x": x, "edge_index": edge_index, "batch": batch,
            "W1": W1, "b1": b1, "W2": W2, "b2": b2}


def _gcn_conv(x, edge_index, W, b, n_nodes):
    # PyG GCNConv: H = D^{-1/2} (A + I) D^{-1/2} (X W) + b
    src = edge_index[0]
    dst = edge_index[1]
    loop = jnp.arange(n_nodes, dtype=src.dtype)
    src = jnp.concatenate([src, loop], axis=0)
    dst = jnp.concatenate([dst, loop], axis=0)
    deg = jnp.zeros((n_nodes,), dtype=x.dtype).at[dst].add(1.0)
    deg_inv_sqrt = jnp.where(deg > 0, deg ** -0.5, 0.0)
    norm = deg_inv_sqrt[src] * deg_inv_sqrt[dst]
    h = x @ W
    msg = jnp.take(h, src, axis=0) * norm[:, None]
    out = jnp.zeros((n_nodes, h.shape[1]), dtype=h.dtype).at[dst].add(msg)
    return out + b


def reference(x, edge_index, batch, W1, b1, W2, b2):
    n = x.shape[0]
    h = _gcn_conv(x, edge_index, W1, b1, n)
    h = jax.nn.relu(h)
    h = _gcn_conv(h, edge_index, W2, b2, n)
    h = jax.nn.relu(h)
    return h

if __name__ == "__main__":
    import jax
    _d = setup_inputs()
    print(jax.jit(kernel)(*tuple(_d.values())))

</pallas_src>

<mosaic_0001>
#map = affine_map<(d0, d1) -> (0, 0)>
#map1 = affine_map<(d0, d1) -> (0, 0, 0, 0)>
#map2 = affine_map<(d0, d1) -> (0, 0, 0)>
module attributes {stable_mosaic.version = 14 : i64} {
  func.func @_agg_kernel(%arg0: i32, %arg1: i32, %arg2: memref<10000x128xf32, #tpu.memory_space<hbm>>, %arg3: memref<32x212x2x48xi32, #tpu.memory_space<hbm>>, %arg4: memref<2x10112x128xf32, #tpu.memory_space<hbm>>, %arg5: memref<2x2x48xi32, #tpu.memory_space<vmem>>, %arg6: memref<48x128xf32, #tpu.memory_space<vmem>>, %arg7: memref<48x128xf32, #tpu.memory_space<vmem>>, %arg8: memref<10112x128xf32, #tpu.memory_space<vmem_shared>>, %arg9: memref<!tpu.dma_semaphore, #tpu.memory_space<semaphore_mem>>, %arg10: memref<!tpu.dma_semaphore, #tpu.memory_space<semaphore_mem>>, %arg11: memref<!tpu.dma_semaphore, #tpu.memory_space<semaphore_mem>>, %arg12: memref<!tpu.dma_semaphore, #tpu.memory_space<semaphore_mem>>) attributes {dimension_semantics = [#tpu.dimension_semantics<core_parallel>, #tpu.dimension_semantics<subcore_parallel>], iteration_bounds = array<i64: 2, 16>, scalar_prefetch = 0 : i64, scratch_operands = 8 : i64, tpu.core_type = #tpu.core_type<sc_vector_subcore>, window_params = [{transform_indices = #map}, {transform_indices = #map1}, {transform_indices = #map2}]} {
    %mul3A = arith.constant 16 : i32
    %mul3A_0 = arith.muli %arg0, %mul3A : i32
    %add3A = arith.addi %mul3A_0, %arg1 : i32
    %broadcast_in_dim3A = arith.constant 0.000000e+00 : f32
    %broadcast_in_dim3A_1 = vector.broadcast %broadcast_in_dim3A : f32 to vector<16xf32>
    %scan3A = arith.constant 0 : i32
    %scan3A_2 = arith.constant 0 : i32
    %scan3A_3 = arith.constant 48 : i32
    %scan3A_4 = arith.addi %scan3A_2, %scan3A_3 : i32
    %scan3A_5 = arith.constant 1 : i32
    scf.for %scan3A_111 = %scan3A_2 to %scan3A_4 step %scan3A_5  : i32 {
      %swap3A = arith.index_cast %scan3A_111 : i32 to index
      %swap3A_112 = arith.constant 0 : index
      %swap3A_113 = tpu.vector_load %arg6[%swap3A, %swap3A_112] {strides = array<i32>} : memref<48x128xf32, #tpu.memory_space<vmem>>, vector<1x16xf32>,
      %swap3A_114 = vector.shape_cast %swap3A_113 : vector<1x16xf32> to vector<16xf32>
      %swap3A_115 = vector.shape_cast %broadcast_in_dim3A_1 : vector<16xf32> to vector<1x16xf32>
      tpu.vector_store %arg6[%swap3A, %swap3A_112], %swap3A_115 {strides = array<i32>} : memref<48x128xf32, #tpu.memory_space<vmem>>, vector<1x16xf32>,
      %swap3A_116 = arith.index_cast %scan3A_111 : i32 to index
      %swap3A_117 = arith.constant 16 : index
      %swap3A_118 = tpu.vector_load %arg6[%swap3A_116, %swap3A_117] {strides = array<i32>} : memref<48x128xf32, #tpu.memory_space<vmem>>, vector<1x16xf32>,
      %swap3A_119 = vector.shape_cast %swap3A_118 : vector<1x16xf32> to vector<16xf32>
      %swap3A_120 = vector.shape_cast %broadcast_in_dim3A_1 : vector<16xf32> to vector<1x16xf32>
      tpu.vector_store %arg6[%swap3A_116, %swap3A_117], %swap3A_120 {strides = array<i32>} : memref<48x128xf32, #tpu.memory_space<vmem>>, vector<1x16xf32>,
      %swap3A_121 = arith.index_cast %scan3A_111 : i32 to index
      %swap3A_122 = arith.constant 32 : index
      %swap3A_123 = tpu.vector_load %arg6[%swap3A_121, %swap3A_122] {strides = array<i32>} : memref<48x128xf32, #tpu.memory_space<vmem>>, vector<1x16xf32>,
      %swap3A_124 = vector.shape_cast %swap3A_123 : vector<1x16xf32> to vector<16xf32>
      %swap3A_125 = vector.shape_cast %broadcast_in_dim3A_1 : vector<16xf32> to vector<1x16xf32>
      tpu.vector_store %arg6[%swap3A_121, %swap3A_122], %swap3A_125 {strides = array<i32>} : memref<48x128xf32, #tpu.memory_space<vmem>>, vector<1x16xf32>,
      %swap3A_126 = arith.index_cast %scan3A_111 : i32 to index
      %swap3A_127 = arith.constant 48 : index
      %swap3A_128 = tpu.vector_load %arg6[%swap3A_126, %swap3A_127] {strides = array<i32>} : memref<48x128xf32, #tpu.memory_space<vmem>>, vector<1x16xf32>,
      %swap3A_129 = vector.shape_cast %swap3A_128 : vector<1x16xf32> to vector<16xf32>
      %swap3A_130 = vector.shape_cast %broadcast_in_dim3A_1 : vector<16xf32> to vector<1x16xf32>
      tpu.vector_store %arg6[%swap3A_126, %swap3A_127], %swap3A_130 {strides = array<i32>} : memref<48x128xf32, #tpu.memory_space<vmem>>, vector<1x16xf32>,
      %swap3A_131 = arith.index_cast %scan3A_111 : i32 to index
      %swap3A_132 = arith.constant 64 : index
      %swap3A_133 = tpu.vector_load %arg6[%swap3A_131, %swap3A_132] {strides = array<i32>} : memref<48x128xf32, #tpu.memory_space<vmem>>, vector<1x16xf32>,
      %swap3A_134 = vector.shape_cast %swap3A_133 : vector<1x16xf32> to vector<16xf32>
      %swap3A_135 = vector.shape_cast %broadcast_in_dim3A_1 : vector<16xf32> to vector<1x16xf32>
      tpu.vector_store %arg6[%swap3A_131, %swap3A_132], %swap3A_135 {strides = array<i32>} : memref<48x128xf32, #tpu.memory_space<vmem>>, vector<1x16xf32>,
      %swap3A_136 = arith.index_cast %scan3A_111 : i32 to index
      %swap3A_137 = arith.constant 80 : index
      %swap3A_138 = tpu.vector_load %arg6[%swap3A_136, %swap3A_137] {strides = array<i32>} : memref<48x128xf32, #tpu.memory_space<vmem>>, vector<1x16xf32>,
      %swap3A_139 = vector.shape_cast %swap3A_138 : vector<1x16xf32> to vector<16xf32>
      %swap3A_140 = vector.shape_cast %broadcast_in_dim3A_1 : vector<16xf32> to vector<1x16xf32>
      tpu.vector_store %arg6[%swap3A_136, %swap3A_137], %swap3A_140 {strides = array<i32>} : memref<48x128xf32, #tpu.memory_space<vmem>>, vector<1x16xf32>,
      %swap3A_141 = arith.index_cast %scan3A_111 : i32 to index
      %swap3A_142 = arith.constant 96 : index
      %swap3A_143 = tpu.vector_load %arg6[%swap3A_141, %swap3A_142] {strides = array<i32>} : memref<48x128xf32, #tpu.memory_space<vmem>>, vector<1x16xf32>,
      %swap3A_144 = vector.shape_cast %swap3A_143 : vector<1x16xf32> to vector<16xf32>
      %swap3A_145 = vector.shape_cast %broadcast_in_dim3A_1 : vector<16xf32> to vector<1x16xf32>
      tpu.vector_store %arg6[%swap3A_141, %swap3A_142], %swap3A_145 {strides = array<i32>} : memref<48x128xf32, #tpu.memory_space<vmem>>, vector<1x16xf32>,
      %swap3A_146 = arith.index_cast %scan3A_111 : i32 to index
      %swap3A_147 = arith.constant 112 : index
      %swap3A_148 = tpu.vector_load %arg6[%swap3A_146, %swap3A_147] {strides = array<i32>} : memref<48x128xf32, #tpu.memory_space<vmem>>, vector<1x16xf32>,
      %swap3A_149 = vector.shape_cast %swap3A_148 : vector<1x16xf32> to vector<16xf32>
      %swap3A_150 = vector.shape_cast %broadcast_in_dim3A_1 : vector<16xf32> to vector<1x16xf32>
      tpu.vector_store %arg6[%swap3A_146, %swap3A_147], %swap3A_150 {strides = array<i32>} : memref<48x128xf32, #tpu.memory_space<vmem>>, vector<1x16xf32>,
    }
    %scan3A_6 = arith.constant 48 : i32
    %mul3A_7 = arith.constant 632 : i32
    %mul3A_8 = arith.muli %arg1, %mul3A_7 : i32
    %scan3A_9 = arith.constant 0 : i32
    %scan3A_10 = arith.constant 0 : i32
    %scan3A_11 = arith.constant 13 : i32
    %scan3A_12 = arith.addi %scan3A_10, %scan3A_11 : i32
    %scan3A_13 = arith.constant 1 : i32
    scf.for %scan3A_111 = %scan3A_10 to %scan3A_12 step %scan3A_13  : i32 {
      %mul3A_112 = arith.constant 48 : i32
      %mul3A_113 = arith.muli %scan3A_111, %mul3A_112 : i32
      %add3A_114 = arith.addi %mul3A_8, %mul3A_113 : i32
      "tpu.region"() ({
        %run_scoped3A = tpu.sem_alloc : memref<!tpu.dma_semaphore, #tpu.memory_space<semaphore_mem>>
        %dma_start3A_115 = arith.constant 0 : i32
        %dma_start3A_116 = tpu.memref_slice %arg8[%add3A_114, %dma_start3A_115] : memref<10112x128xf32, #tpu.memory_space<vmem_shared>> -> memref<48x128xf32, #tpu.memory_space<vmem_shared>>
        %dma_start3A_117 = arith.constant 0 : i32
        %dma_start3A_118 = tpu.memref_slice %arg8[%add3A_114, %dma_start3A_117] : memref<10112x128xf32, #tpu.memory_space<vmem_shared>> -> memref<48x128xf32, #tpu.memory_space<vmem_shared>>
        tpu.enqueue_dma source(%arg6 : memref<48x128xf32, #tpu.memory_space<vmem>>) target(%dma_start3A_118 : memref<48x128xf32, #tpu.memory_space<vmem_shared>>) target_semaphore(%run_scoped3A : memref<!tpu.dma_semaphore, #tpu.memory_space<semaphore_mem>>)
        %dma_wait3A_119 = arith.constant 0 : i32
        %dma_wait3A_120 = tpu.memref_slice %arg8[%add3A_114, %dma_wait3A_119] : memref<10112x128xf32, #tpu.memory_space<vmem_shared>> -> memref<48x128xf32, #tpu.memory_space<vmem_shared>>
        %dma_wait3A_121 = arith.constant 0 : i32
        %dma_wait3A_122 = tpu.memref_slice %arg8[%add3A_114, %dma_wait3A_121] : memref<10112x128xf32, #tpu.memory_space<vmem_shared>> -> memref<48x128xf32, #tpu.memory_space<vmem_shared>>
        tpu.wait_dma2 semaphore(%run_scoped3A : memref<!tpu.dma_semaphore, #tpu.memory_space<semaphore_mem>>) src(%arg6 : memref<48x128xf32, #tpu.memory_space<vmem>>) dst(%dma_wait3A_122 : memref<48x128xf32, #tpu.memory_space<vmem_shared>>)
        tpu.yield
      }) : () -> ()
    }
    %scan3A_14 = arith.constant 13 : i32
    %add3A_15 = arith.constant 632 : i32
    %add3A_16 = arith.addi %mul3A_8, %add3A_15 : i32
    %sub3A = arith.constant 8 : i32
    %sub3A_17 = arith.subi %add3A_16, %sub3A : i32
    "tpu.region"() ({
      %run_scoped3A = tpu.sem_alloc : memref<!tpu.dma_semaphore, #tpu.memory_space<semaphore_mem>>
      %dma_start3A_111 = arith.constant 0 : i32
      %dma_start3A_112 = arith.constant 0 : i32
      %dma_start3A_113 = tpu.memref_slice %arg6[%dma_start3A_111, %dma_start3A_112] : memref<48x128xf32, #tpu.memory_space<vmem>> -> memref<8x128xf32, #tpu.memory_space<vmem>>
      %dma_start3A_114 = arith.constant 0 : i32
      %dma_start3A_115 = tpu.memref_slice %arg8[%sub3A_17, %dma_start3A_114] : memref<10112x128xf32, #tpu.memory_space<vmem_shared>> -> memref<8x128xf32, #tpu.memory_space<vmem_shared>>
      %dma_start3A_116 = arith.constant 0 : i32
      %dma_start3A_117 = tpu.memref_slice %arg8[%sub3A_17, %dma_start3A_116] : memref<10112x128xf32, #tpu.memory_space<vmem_shared>> -> memref<8x128xf32, #tpu.memory_space<vmem_shared>>
      %dma_start3A_118 = arith.constant 0 : i32
      %dma_start3A_119 = arith.constant 0 : i32
      %dma_start3A_120 = tpu.memref_slice %arg6[%dma_start3A_118, %dma_start3A_119] : memref<48x128xf32, #tpu.memory_space<vmem>> -> memref<8x128xf32, #tpu.memory_space<vmem>>
      tpu.enqueue_dma source(%dma_start3A_120 : memref<8x128xf32, #tpu.memory_space<vmem>>) target(%dma_start3A_117 : memref<8x128xf32, #tpu.memory_space<vmem_shared>>) target_semaphore(%run_scoped3A : memref<!tpu.dma_semaphore, #tpu.memory_space<semaphore_mem>>)
      %dma_wait3A_121 = arith.constant 0 : i32
      %dma_wait3A_122 = arith.constant 0 : i32
      %dma_wait3A_123 = tpu.memref_slice %arg6[%dma_wait3A_121, %dma_wait3A_122] : memref<48x128xf32, #tpu.memory_space<vmem>> -> memref<8x128xf32, #tpu.memory_space<vmem>>
      %dma_wait3A_124 = arith.constant 0 : i32
      %dma_wait3A_125 = tpu.memref_slice %arg8[%sub3A_17, %dma_wait3A_124] : memref<10112x128xf32, #tpu.memory_space<vmem_shared>> -> memref<8x128xf32, #tpu.memory_space<vmem_shared>>
      %dma_wait3A_126 = arith.constant 0 : i32
      %dma_wait3A_127 = tpu.memref_slice %arg8[%sub3A_17, %dma_wait3A_126] : memref<10112x128xf32, #tpu.memory_space<vmem_shared>> -> memref<8x128xf32, #tpu.memory_space<vmem_shared>>
      %dma_wait3A_128 = arith.constant 0 : i32
      %dma_wait3A_129 = arith.constant 0 : i32
      %dma_wait3A_130 = tpu.memref_slice %arg6[%dma_wait3A_128, %dma_wait3A_129] : memref<48x128xf32, #tpu.memory_space<vmem>> -> memref<8x128xf32, #tpu.memory_space<vmem>>
      tpu.wait_dma2 semaphore(%run_scoped3A : memref<!tpu.dma_semaphore, #tpu.memory_space<semaphore_mem>>) src(%dma_wait3A_130 : memref<8x128xf32, #tpu.memory_space<vmem>>) dst(%dma_wait3A_127 : memref<8x128xf32, #tpu.memory_space<vmem_shared>>)
      tpu.yield
    }) : () -> ()
    %barrier3A = arith.constant 0 : index
    tpu.barrier barrier_id(%barrier3A)
    %dma_start3A = arith.constant 0 : i32
    %dma_start3A_18 = arith.constant 0 : i32
    %dma_start3A_19 = arith.constant 0 : i32
    %dma_start3A_20 = arith.constant 0 : i32
    %dma_start3A_21 = tpu.memref_slice %arg5[%dma_start3A_18, %dma_start3A_19, %dma_start3A_20] : memref<2x2x48xi32, #tpu.memory_space<vmem>> -> memref<1x2x48xi32, #tpu.memory_space<vmem>>
    %dma_start3A_22 = tpu.memref_squeeze %dma_start3A_21 : memref<1x2x48xi32, #tpu.memory_space<vmem>> -> memref<2x48xi32, #tpu.memory_space<vmem>>
    %dma_start3A_23 = arith.constant 0 : i32
    %dma_start3A_24 = arith.constant 0 : i32
    %dma_start3A_25 = tpu.memref_slice %arg3[%add3A, %dma_start3A, %dma_start3A_23, %dma_start3A_24] : memref<32x212x2x48xi32, #tpu.memory_space<hbm>> -> memref<1x1x2x48xi32, #tpu.memory_space<hbm>>
    %dma_start3A_26 = tpu.memref_squeeze %dma_start3A_25 : memref<1x1x2x48xi32, #tpu.memory_space<hbm>> -> memref<2x48xi32, #tpu.memory_space<hbm>>
    %dma_start3A_27 = arith.constant 0 : i32
    %dma_start3A_28 = arith.constant 0 : i32
    %dma_start3A_29 = tpu.memref_slice %arg5[%dma_start3A_18, %dma_start3A_27, %dma_start3A_28] : memref<2x2x48xi32, #tpu.memory_space<vmem>> -> memref<1x2x48xi32, #tpu.memory_space<vmem>>
    %dma_start3A_30 = tpu.memref_squeeze %dma_start3A_29 : memref<1x2x48xi32, #tpu.memory_space<vmem>> -> memref<2x48xi32, #tpu.memory_space<vmem>>
    %dma_start3A_31 = arith.constant 0 : i32
    %dma_start3A_32 = arith.constant 0 : i32
    %dma_start3A_33 = tpu.memref_slice %arg3[%add3A, %dma_start3A, %dma_start3A_31, %dma_start3A_32] : memref<32x212x2x48xi32, #tpu.memory_space<hbm>> -> memref<1x1x2x48xi32, #tpu.memory_space<hbm>>
    %dma_start3A_34 = tpu.memref_squeeze %dma_start3A_33 : memref<1x1x2x48xi32, #tpu.memory_space<hbm>> -> memref<2x48xi32, #tpu.memory_space<hbm>>
    tpu.enqueue_dma source(%dma_start3A_34 : memref<2x48xi32, #tpu.memory_space<hbm>>) target(%dma_start3A_30 : memref<2x48xi32, #tpu.memory_space<vmem>>) target_semaphore(%arg9 : memref<!tpu.dma_semaphore, #tpu.memory_space<semaphore_mem>>)
    %dma_start3A_35 = arith.constant 1 : i32
    %dma_start3A_36 = arith.constant 1 : i32
    %dma_start3A_37 = arith.constant 0 : i32
    %dma_start3A_38 = arith.constant 0 : i32
    %dma_start3A_39 = tpu.memref_slice %arg5[%dma_start3A_36, %dma_start3A_37, %dma_start3A_38] : memref<2x2x48xi32, #tpu.memory_space<vmem>> -> memref<1x2x48xi32, #tpu.memory_space<vmem>>
    %dma_start3A_40 = tpu.memref_squeeze %dma_start3A_39 : memref<1x2x48xi32, #tpu.memory_space<vmem>> -> memref<2x48xi32, #tpu.memory_space<vmem>>
    %dma_start3A_41 = arith.constant 0 : i32
    %dma_start3A_42 = arith.constant 0 : i32
    %dma_start3A_43 = tpu.memref_slice %arg3[%add3A, %dma_start3A_35, %dma_start3A_41, %dma_start3A_42] : memref<32x212x2x48xi32, #tpu.memory_space<hbm>> -> memref<1x1x2x48xi32, #tpu.memory_space<hbm>>
    %dma_start3A_44 = tpu.memref_squeeze %dma_start3A_43 : memref<1x1x2x48xi32, #tpu.memory_space<hbm>> -> memref<2x48xi32, #tpu.memory_space<hbm>>
    %dma_start3A_45 = arith.constant 0 : i32
    %dma_start3A_46 = arith.constant 0 : i32
    %dma_start3A_47 = tpu.memref_slice %arg5[%dma_start3A_36, %dma_start3A_45, %dma_start3A_46] : memref<2x2x48xi32, #tpu.memory_space<vmem>> -> memref<1x2x48xi32, #tpu.memory_space<vmem>>
    %dma_start3A_48 = tpu.memref_squeeze %dma_start3A_47 : memref<1x2x48xi32, #tpu.memory_space<vmem>> -> memref<2x48xi32, #tpu.memory_space<vmem>>
    %dma_start3A_49 = arith.constant 0 : i32
    %dma_start3A_50 = arith.constant 0 : i32
    %dma_start3A_51 = tpu.memref_slice %arg3[%add3A, %dma_start3A_35, %dma_start3A_49, %dma_start3A_50] : memref<32x212x2x48xi32, #tpu.memory_space<hbm>> -> memref<1x1x2x48xi32, #tpu.memory_space<hbm>>
    %dma_start3A_52 = tpu.memref_squeeze %dma_start3A_51 : memref<1x1x2x48xi32, #tpu.memory_space<hbm>> -> memref<2x48xi32, #tpu.memory_space<hbm>>
    tpu.enqueue_dma source(%dma_start3A_52 : memref<2x48xi32, #tpu.memory_space<hbm>>) target(%dma_start3A_48 : memref<2x48xi32, #tpu.memory_space<vmem>>) target_semaphore(%arg10 : memref<!tpu.dma_semaphore, #tpu.memory_space<semaphore_mem>>)
    %dma_wait3A = arith.constant 0 : i32
    %dma_wait3A_53 = arith.constant 0 : i32
    %dma_wait3A_54 = arith.constant 0 : i32
    %dma_wait3A_55 = arith.constant 0 : i32
    %dma_wait3A_56 = tpu.memref_slice %arg5[%dma_wait3A_53, %dma_wait3A_54, %dma_wait3A_55] : memref<2x2x48xi32, #tpu.memory_space<vmem>> -> memref<1x2x48xi32, #tpu.memory_space<vmem>>
    %dma_wait3A_57 = tpu.memref_squeeze %dma_wait3A_56 : memref<1x2x48xi32, #tpu.memory_space<vmem>> -> memref<2x48xi32, #tpu.memory_space<vmem>>
    %dma_wait3A_58 = arith.constant 0 : i32
    %dma_wait3A_59 = arith.constant 0 : i32
    %dma_wait3A_60 = tpu.memref_slice %arg3[%add3A, %dma_wait3A, %dma_wait3A_58, %dma_wait3A_59] : memref<32x212x2x48xi32, #tpu.memory_space<hbm>> -> memref<1x1x2x48xi32, #tpu.memory_space<hbm>>
    %dma_wait3A_61 = tpu.memref_squeeze %dma_wait3A_60 : memref<1x1x2x48xi32, #tpu.memory_space<hbm>> -> memref<2x48xi32, #tpu.memory_space<hbm>>
    %dma_wait3A_62 = arith.constant 0 : i32
    %dma_wait3A_63 = arith.constant 0 : i32
    %dma_wait3A_64 = tpu.memref_slice %arg5[%dma_wait3A_53, %dma_wait3A_62, %dma_wait3A_63] : memref<2x2x48xi32, #tpu.memory_space<vmem>> -> memref<1x2x48xi32, #tpu.memory_space<vmem>>
    %dma_wait3A_65 = tpu.memref_squeeze %dma_wait3A_64 : memref<1x2x48xi32, #tpu.memory_space<vmem>> -> memref<2x48xi32, #tpu.memory_space<vmem>>
    %dma_wait3A_66 = arith.constant 0 : i32
    %dma_wait3A_67 = arith.constant 0 : i32
    %dma_wait3A_68 = tpu.memref_slice %arg3[%add3A, %dma_wait3A, %dma_wait3A_66, %dma_wait3A_67] : memref<32x212x2x48xi32, #tpu.memory_space<hbm>> -> memref<1x1x2x48xi32, #tpu.memory_space<hbm>>
    %dma_wait3A_69 = tpu.memref_squeeze %dma_wait3A_68 : memref<1x1x2x48xi32, #tpu.memory_space<hbm>> -> memref<2x48xi32, #tpu.memory_space<hbm>>
    tpu.wait_dma2 semaphore(%arg9 : memref<!tpu.dma_semaphore, #tpu.memory_space<semaphore_mem>>) src(%dma_wait3A_69 : memref<2x48xi32, #tpu.memory_space<hbm>>) dst(%dma_wait3A_65 : memref<2x48xi32, #tpu.memory_space<vmem>>)
    %dma_start3A_70 = arith.constant 0 : i32
    %dma_start3A_71 = arith.constant 0 : i32
    %dma_start3A_72 = arith.constant 0 : i32
    %dma_start3A_73 = tpu.memref_slice %arg5[%dma_start3A_70, %dma_start3A_71, %dma_start3A_72] : memref<2x2x48xi32, #tpu.memory_space<vmem>> -> memref<1x1x48xi32, #tpu.memory_space<vmem>>
    %dma_start3A_74 = tpu.memref_squeeze %dma_start3A_73 : memref<1x1x48xi32, #tpu.memory_space<vmem>> -> memref<48xi32, #tpu.memory_space<vmem>>
    %dma_start3A_75 = arith.constant 0 : i32
    %dma_start3A_76 = arith.constant 0 : i32
    %dma_start3A_77 = tpu.memref_slice %arg2[%dma_start3A_75, %dma_start3A_76] : memref<10000x128xf32, #tpu.memory_space<hbm>> -> memref<10000x128xf32, #tpu.memory_space<hbm>>
    tpu.enqueue_indirect_dma source(%dma_start3A_77 : memref<10000x128xf32, #tpu.memory_space<hbm>>) target(%arg6 : memref<48x128xf32, #tpu.memory_space<vmem>>) offsets(%dma_start3A_74 : memref<48xi32, #tpu.memory_space<vmem>>) semaphore(%arg11 : memref<!tpu.dma_semaphore, #tpu.memory_space<semaphore_mem>>)
    %scan3A_78 = arith.constant 0 : i32
    %scan3A_79 = arith.constant 0 : i32
    %scan3A_80 = arith.constant 105 : i32
    %scan3A_81 = arith.addi %scan3A_79, %scan3A_80 : i32
    %scan3A_82 = arith.constant 1 : i32
    scf.for %scan3A_111 = %scan3A_79 to %scan3A_81 step %scan3A_82  : i32 {
      %mul3A_112 = arith.constant 2 : i32
      %mul3A_113 = arith.muli %scan3A_111, %mul3A_112 : i32
      %add3A_114 = arith.constant 1 : i32
      %add3A_115 = arith.addi %mul3A_113, %add3A_114 : i32
      %dma_wait3A_116 = arith.constant 1 : i32
      %dma_wait3A_117 = arith.constant 0 : i32
      %dma_wait3A_118 = arith.constant 0 : i32
      %dma_wait3A_119 = tpu.memref_slice %arg5[%dma_wait3A_116, %dma_wait3A_117, %dma_wait3A_118] : memref<2x2x48xi32, #tpu.memory_space<vmem>> -> memref<1x2x48xi32, #tpu.memory_space<vmem>>
      %dma_wait3A_120 = tpu.memref_squeeze %dma_wait3A_119 : memref<1x2x48xi32, #tpu.memory_space<vmem>> -> memref<2x48xi32, #tpu.memory_space<vmem>>
      %dma_wait3A_121 = arith.constant 0 : i32
      %dma_wait3A_122 = arith.constant 0 : i32
      %dma_wait3A_123 = tpu.memref_slice %arg3[%add3A, %add3A_115, %dma_wait3A_121, %dma_wait3A_122] : memref<32x212x2x48xi32, #tpu.memory_space<hbm>> -> memref<1x1x2x48xi32, #tpu.memory_space<hbm>>
      %dma_wait3A_124 = tpu.memref_squeeze %dma_wait3A_123 : memref<1x1x2x48xi32, #tpu.memory_space<hbm>> -> memref<2x48xi32, #tpu.memory_space<hbm>>
      %dma_wait3A_125 = arith.constant 0 : i32
      %dma_wait3A_126 = arith.constant 0 : i32
      %dma_wait3A_127 = tpu.memref_slice %arg5[%dma_wait3A_116, %dma_wait3A_125, %dma_wait3A_126] : memref<2x2x48xi32, #tpu.memory_space<vmem>> -> memref<1x2x48xi32, #tpu.memory_space<vmem>>
      %dma_wait3A_128 = tpu.memref_squeeze %dma_wait3A_127 : memref<1x2x48xi32, #tpu.memory_space<vmem>> -> memref<2x48xi32, #tpu.memory_space<vmem>>
      %dma_wait3A_129 = arith.constant 0 : i32
      %dma_wait3A_130 = arith.constant 0 : i32
      %dma_wait3A_131 = tpu.memref_slice %arg3[%add3A, %add3A_115, %dma_wait3A_129, %dma_wait3A_130] : memref<32x212x2x48xi32, #tpu.memory_space<hbm>> -> memref<1x1x2x48xi32, #tpu.memory_space<hbm>>
      %dma_wait3A_132 = tpu.memref_squeeze %dma_wait3A_131 : memref<1x1x2x48xi32, #tpu.memory_space<hbm>> -> memref<2x48xi32, #tpu.memory_space<hbm>>
      tpu.wait_dma2 semaphore(%arg10 : memref<!tpu.dma_semaphore, #tpu.memory_space<semaphore_mem>>) src(%dma_wait3A_132 : memref<2x48xi32, #tpu.memory_space<hbm>>) dst(%dma_wait3A_128 : memref<2x48xi32, #tpu.memory_space<vmem>>)
      %dma_wait3A_133 = arith.constant 0 : i32
      %dma_wait3A_134 = arith.constant 0 : i32
      %dma_wait3A_135 = arith.constant 0 : i32
      %dma_wait3A_136 = tpu.memref_slice %arg5[%dma_wait3A_133, %dma_wait3A_134, %dma_wait3A_135] : memref<2x2x48xi32, #tpu.memory_space<vmem>> -> memref<1x1x48xi32, #tpu.memory_space<vmem>>
      %dma_wait3A_137 = tpu.memref_squeeze %dma_wait3A_136 : memref<1x1x48xi32, #tpu.memory_space<vmem>> -> memref<48xi32, #tpu.memory_space<vmem>>
      %dma_wait3A_138 = arith.constant 0 : i32
      %dma_wait3A_139 = arith.constant 0 : i32
      %dma_wait3A_140 = tpu.memref_slice %arg2[%dma_wait3A_138, %dma_wait3A_139] : memref<10000x128xf32, #tpu.memory_space<hbm>> -> memref<10000x128xf32, #tpu.memory_space<hbm>>
      tpu.wait_indirect_dma semaphore(%arg11 : memref<!tpu.dma_semaphore, #tpu.memory_space<semaphore_mem>>) src(%dma_wait3A_140 : memref<10000x128xf32, #tpu.memory_space<hbm>>) dst(%arg6 : memref<48x128xf32, #tpu.memory_space<vmem>>)
      %dma_start3A_141 = arith.constant 1 : i32
      %dma_start3A_142 = arith.constant 0 : i32
      %dma_start3A_143 = arith.constant 0 : i32
      %dma_start3A_144 = tpu.memref_slice %arg5[%dma_start3A_141, %dma_start3A_142, %dma_start3A_143] : memref<2x2x48xi32, #tpu.memory_space<vmem>> -> memref<1x1x48xi32, #tpu.memory_space<vmem>>
      %dma_start3A_145 = tpu.memref_squeeze %dma_start3A_144 : memref<1x1x48xi32, #tpu.memory_space<vmem>> -> memref<48xi32, #tpu.memory_space<vmem>>
      %dma_start3A_146 = arith.constant 0 : i32
      %dma_start3A_147 = arith.constant 0 : i32
      %dma_start3A_148 = tpu.memref_slice %arg2[%dma_start3A_146, %dma_start3A_147] : memref<10000x128xf32, #tpu.memory_space<hbm>> -> memref<10000x128xf32, #tpu.memory_space<hbm>>
      tpu.enqueue_indirect_dma source(%dma_start3A_148 : memref<10000x128xf32, #tpu.memory_space<hbm>>) target(%arg7 : memref<48x128xf32, #tpu.memory_space<vmem>>) offsets(%dma_start3A_145 : memref<48xi32, #tpu.memory_space<vmem>>) semaphore(%arg12 : memref<!tpu.dma_semaphore, #tpu.memory_space<semaphore_mem>>)
      %run_scoped3A = arith.constant 0 : i32
      %run_scoped3A_149 = arith.constant 1 : i32
      "tpu.region"() ({
        %run_scoped3A_225 = tpu.sem_alloc : memref<!tpu.dma_semaphore, #tpu.memory_space<semaphore_mem>>
        %dma_start3A_226 = arith.constant 0 : i32
        %dma_start3A_227 = tpu.memref_slice %arg5[%run_scoped3A, %run_scoped3A_149, %dma_start3A_226] : memref<2x2x48xi32, #tpu.memory_space<vmem>> -> memref<1x1x48xi32, #tpu.memory_space<vmem>>
        %dma_start3A_228 = tpu.memref_squeeze %dma_start3A_227 : memref<1x1x48xi32, #tpu.memory_space<vmem>> -> memref<48xi32, #tpu.memory_space<vmem>>
        %dma_start3A_229 = arith.constant 0 : i32
        %dma_start3A_230 = arith.constant 0 : i32
        %dma_start3A_231 = tpu.memref_slice %arg8[%dma_start3A_229, %dma_start3A_230] : memref<10112x128xf32, #tpu.memory_space<vmem_shared>> -> memref<10112x128xf32, #tpu.memory_space<vmem_shared>>
        tpu.enqueue_indirect_dma source(%arg6 : memref<48x128xf32, #tpu.memory_space<vmem>>) target(%dma_start3A_231 : memref<10112x128xf32, #tpu.memory_space<vmem_shared>>) offsets(%dma_start3A_228 : memref<48xi32, #tpu.memory_space<vmem>>) semaphore(%run_scoped3A_225 : memref<!tpu.dma_semaphore, #tpu.memory_space<semaphore_mem>>) {add = true}
        %dma_wait3A_232 = arith.constant 0 : i32
        %dma_wait3A_233 = tpu.memref_slice %arg5[%run_scoped3A, %run_scoped3A_149, %dma_wait3A_232] : memref<2x2x48xi32, #tpu.memory_space<vmem>> -> memref<1x1x48xi32, #tpu.memory_space<vmem>>
        %dma_wait3A_234 = tpu.memref_squeeze %dma_wait3A_233 : memref<1x1x48xi32, #tpu.memory_space<vmem>> -> memref<48xi32, #tpu.memory_space<vmem>>
        %dma_wait3A_235 = arith.constant 0 : i32
        %dma_wait3A_236 = arith.constant 0 : i32
        %dma_wait3A_237 = tpu.memref_slice %arg8[%dma_wait3A_235, %dma_wait3A_236] : memref<10112x128xf32, #tpu.memory_space<vmem_shared>> -> memref<10112x128xf32, #tpu.memory_space<vmem_shared>>
        tpu.wait_indirect_dma semaphore(%run_scoped3A_225 : memref<!tpu.dma_semaphore, #tpu.memory_space<semaphore_mem>>) src(%arg6 : memref<48x128xf32, #tpu.memory_space<vmem>>) dst(%dma_wait3A_237 : memref<10112x128xf32, #tpu.memory_space<vmem_shared>>)
        tpu.yield
      }) : () -> ()
      %add3A_150 = arith.constant 2 : i32
      %add3A_151 = arith.addi %mul3A_113, %add3A_150 : i32
      %dma_start3A_152 = arith.constant 0 : i32
      %dma_start3A_153 = arith.constant 0 : i32
      %dma_start3A_154 = arith.constant 0 : i32
      %dma_start3A_155 = tpu.memref_slice %arg5[%dma_start3A_152, %dma_start3A_153, %dma_start3A_154] : memref<2x2x48xi32, #tpu.memory_space<vmem>> -> memref<1x2x48xi32, #tpu.memory_space<vmem>>
      %dma_start3A_156 = tpu.memref_squeeze %dma_start3A_155 : memref<1x2x48xi32, #tpu.memory_space<vmem>> -> memref<2x48xi32, #tpu.memory_space<vmem>>
      %dma_start3A_157 = arith.constant 0 : i32
      %dma_start3A_158 = arith.constant 0 : i32
      %dma_start3A_159 = tpu.memref_slice %arg3[%add3A, %add3A_151, %dma_start3A_157, %dma_start3A_158] : memref<32x212x2x48xi32, #tpu.memory_space<hbm>> -> memref<1x1x2x48xi32, #tpu.memory_space<hbm>>
      %dma_start3A_160 = tpu.memref_squeeze %dma_start3A_159 : memref<1x1x2x48xi32, #tpu.memory_space<hbm>> -> memref<2x48xi32, #tpu.memory_space<hbm>>
      %dma_start3A_161 = arith.constant 0 : i32
      %dma_start3A_162 = arith.constant 0 : i32
      %dma_start3A_163 = tpu.memref_slice %arg5[%dma_start3A_152, %dma_start3A_161, %dma_start3A_162] : memref<2x2x48xi32, #tpu.memory_space<vmem>> -> memref<1x2x48xi32, #tpu.memory_space<vmem>>
      %dma_start3A_164 = tpu.memref_squeeze %dma_start3A_163 : memref<1x2x48xi32, #tpu.memory_space<vmem>> -> memref<2x48xi32, #tpu.memory_space<vmem>>
      %dma_start3A_165 = arith.constant 0 : i32
      %dma_start3A_166 = arith.constant 0 : i32
      %dma_start3A_167 = tpu.memref_slice %arg3[%add3A, %add3A_151, %dma_start3A_165, %dma_start3A_166] : memref<32x212x2x48xi32, #tpu.memory_space<hbm>> -> memref<1x1x2x48xi32, #tpu.memory_space<hbm>>
      %dma_start3A_168 = tpu.memref_squeeze %dma_start3A_167 : memref<1x1x2x48xi32, #tpu.memory_space<hbm>> -> memref<2x48xi32, #tpu.memory_space<hbm>>
      tpu.enqueue_dma source(%dma_start3A_168 : memref<2x48xi32, #tpu.memory_space<hbm>>) target(%dma_start3A_164 : memref<2x48xi32, #tpu.memory_space<vmem>>) target_semaphore(%arg9 : memref<!tpu.dma_semaphore, #tpu.memory_space<semaphore_mem>>)
      %dma_wait3A_169 = arith.constant 1 : i32
      %dma_wait3A_170 = arith.constant 0 : i32
      %dma_wait3A_171 = arith.constant 0 : i32
      %dma_wait3A_172 = tpu.memref_slice %arg5[%dma_wait3A_169, %dma_wait3A_170, %dma_wait3A_171] : memref<2x2x48xi32, #tpu.memory_space<vmem>> -> memref<1x1x48xi32, #tpu.memory_space<vmem>>
      %dma_wait3A_173 = tpu.memref_squeeze %dma_wait3A_172 : memref<1x1x48xi32, #tpu.memory_space<vmem>> -> memref<48xi32, #tpu.memory_space<vmem>>
      %dma_wait3A_174 = arith.constant 0 : i32
      %dma_wait3A_175 = arith.constant 0 : i32
      %dma_wait3A_176 = tpu.memref_slice %arg2[%dma_wait3A_174, %dma_wait3A_175] : memref<10000x128xf32, #tpu.memory_space<hbm>> -> memref<10000x128xf32, #tpu.memory_space<hbm>>
      tpu.wait_indirect_dma semaphore(%arg12 : memref<!tpu.dma_semaphore, #tpu.memory_space<semaphore_mem>>) src(%dma_wait3A_176 : memref<10000x128xf32, #tpu.memory_space<hbm>>) dst(%arg7 : memref<48x128xf32, #tpu.memory_space<vmem>>)
      %add3A_177 = arith.constant 2 : i32
      %add3A_178 = arith.addi %mul3A_113, %add3A_177 : i32
      %dma_wait3A_179 = arith.constant 0 : i32
      %dma_wait3A_180 = arith.constant 0 : i32
      %dma_wait3A_181 = arith.constant 0 : i32
      %dma_wait3A_182 = tpu.memref_slice %arg5[%dma_wait3A_179, %dma_wait3A_180, %dma_wait3A_181] : memref<2x2x48xi32, #tpu.memory_space<vmem>> -> memref<1x2x48xi32, #tpu.memory_space<vmem>>
      %dma_wait3A_183 = tpu.memref_squeeze %dma_wait3A_182 : memref<1x2x48xi32, #tpu.memory_space<vmem>> -> memref<2x48xi32, #tpu.memory_space<vmem>>
      %dma_wait3A_184 = arith.constant 0 : i32
      %dma_wait3A_185 = arith.constant 0 : i32
      %dma_wait3A_186 = tpu.memref_slice %arg3[%add3A, %add3A_178, %dma_wait3A_184, %dma_wait3A_185] : memref<32x212x2x48xi32, #tpu.memory_space<hbm>> -> memref<1x1x2x48xi32, #tpu.memory_space<hbm>>
      %dma_wait3A_187 = tpu.memref_squeeze %dma_wait3A_186 : memref<1x1x2x48xi32, #tpu.memory_space<hbm>> -> memref<2x48xi32, #tpu.memory_space<hbm>>
      %dma_wait3A_188 = arith.constant 0 : i32
      %dma_wait3A_189 = arith.constant 0 : i32
      %dma_wait3A_190 = tpu.memref_slice %arg5[%dma_wait3A_179, %dma_wait3A_188, %dma_wait3A_189] : memref<2x2x48xi32, #tpu.memory_space<vmem>> -> memref<1x2x48xi32, #tpu.memory_space<vmem>>
      %dma_wait3A_191 = tpu.memref_squeeze %dma_wait3A_190 : memref<1x2x48xi32, #tpu.memory_space<vmem>> -> memref<2x48xi32, #tpu.memory_space<vmem>>
      %dma_wait3A_192 = arith.constant 0 : i32
      %dma_wait3A_193 = arith.constant 0 : i32
      %dma_wait3A_194 = tpu.memref_slice %arg3[%add3A, %add3A_178, %dma_wait3A_192, %dma_wait3A_193] : memref<32x212x2x48xi32, #tpu.memory_space<hbm>> -> memref<1x1x2x48xi32, #tpu.memory_space<hbm>>
      %dma_wait3A_195 = tpu.memref_squeeze %dma_wait3A_194 : memref<1x1x2x48xi32, #tpu.memory_space<hbm>> -> memref<2x48xi32, #tpu.memory_space<hbm>>
      tpu.wait_dma2 semaphore(%arg9 : memref<!tpu.dma_semaphore, #tpu.memory_space<semaphore_mem>>) src(%dma_wait3A_195 : memref<2x48xi32, #tpu.memory_space<hbm>>) dst(%dma_wait3A_191 : memref<2x48xi32, #tpu.memory_space<vmem>>)
      %dma_start3A_196 = arith.constant 0 : i32
      %dma_start3A_197 = arith.constant 0 : i32
      %dma_start3A_198 = arith.constant 0 : i32
      %dma_start3A_199 = tpu.memref_slice %arg5[%dma_start3A_196, %dma_start3A_197, %dma_start3A_198] : memref<2x2x48xi32, #tpu.memory_space<vmem>> -> memref<1x1x48xi32, #tpu.memory_space<vmem>>
      %dma_start3A_200 = tpu.memref_squeeze %dma_start3A_199 : memref<1x1x48xi32, #tpu.memory_space<vmem>> -> memref<48xi32, #tpu.memory_space<vmem>>
      %dma_start3A_201 = arith.constant 0 : i32
      %dma_start3A_202 = arith.constant 0 : i32
      %dma_start3A_203 = tpu.memref_slice %arg2[%dma_start3A_201, %dma_start3A_202] : memref<10000x128xf32, #tpu.memory_space<hbm>> -> memref<10000x128xf32, #tpu.memory_space<hbm>>
      tpu.enqueue_indirect_dma source(%dma_start3A_203 : memref<10000x128xf32, #tpu.memory_space<hbm>>) target(%arg6 : memref<48x128xf32, #tpu.memory_space<vmem>>) offsets(%dma_start3A_200 : memref<48xi32, #tpu.memory_space<vmem>>) semaphore(%arg11 : memref<!tpu.dma_semaphore, #tpu.memory_space<semaphore_mem>>)
      %run_scoped3A_204 = arith.constant 1 : i32
      %run_scoped3A_205 = arith.constant 1 : i32
      "tpu.region"() ({
        %run_scoped3A_225 = tpu.sem_alloc : memref<!tpu.dma_semaphore, #tpu.memory_space<semaphore_mem>>
        %dma_start3A_226 = arith.constant 0 : i32
        %dma_start3A_227 = tpu.memref_slice %arg5[%run_scoped3A_204, %run_scoped3A_205, %dma_start3A_226] : memref<2x2x48xi32, #tpu.memory_space<vmem>> -> memref<1x1x48xi32, #tpu.memory_space<vmem>>
        %dma_start3A_228 = tpu.memref_squeeze %dma_start3A_227 : memref<1x1x48xi32, #tpu.memory_space<vmem>> -> memref<48xi32, #tpu.memory_space<vmem>>
        %dma_start3A_229 = arith.constant 0 : i32
        %dma_start3A_230 = arith.constant 0 : i32
        %dma_start3A_231 = tpu.memref_slice %arg8[%dma_start3A_229, %dma_start3A_230] : memref<10112x128xf32, #tpu.memory_space<vmem_shared>> -> memref<10112x128xf32, #tpu.memory_space<vmem_shared>>
        tpu.enqueue_indirect_dma source(%arg7 : memref<48x128xf32, #tpu.memory_space<vmem>>) target(%dma_start3A_231 : memref<10112x128xf32, #tpu.memory_space<vmem_shared>>) offsets(%dma_start3A_228 : memref<48xi32, #tpu.memory_space<vmem>>) semaphore(%run_scoped3A_225 : memref<!tpu.dma_semaphore, #tpu.memory_space<semaphore_mem>>) {add = true}
        %dma_wait3A_232 = arith.constant 0 : i32
        %dma_wait3A_233 = tpu.memref_slice %arg5[%run_scoped3A_204, %run_scoped3A_205, %dma_wait3A_232] : memref<2x2x48xi32, #tpu.memory_space<vmem>> -> memref<1x1x48xi32, #tpu.memory_space<vmem>>
        %dma_wait3A_234 = tpu.memref_squeeze %dma_wait3A_233 : memref<1x1x48xi32, #tpu.memory_space<vmem>> -> memref<48xi32, #tpu.memory_space<vmem>>
        %dma_wait3A_235 = arith.constant 0 : i32
        %dma_wait3A_236 = arith.constant 0 : i32
        %dma_wait3A_237 = tpu.memref_slice %arg8[%dma_wait3A_235, %dma_wait3A_236] : memref<10112x128xf32, #tpu.memory_space<vmem_shared>> -> memref<10112x128xf32, #tpu.memory_space<vmem_shared>>
        tpu.wait_indirect_dma semaphore(%run_scoped3A_225 : memref<!tpu.dma_semaphore, #tpu.memory_space<semaphore_mem>>) src(%arg7 : memref<48x128xf32, #tpu.memory_space<vmem>>) dst(%dma_wait3A_237 : memref<10112x128xf32, #tpu.memory_space<vmem_shared>>)
        tpu.yield
      }) : () -> ()
      %add3A_206 = arith.constant 3 : i32
      %add3A_207 = arith.addi %mul3A_113, %add3A_206 : i32
      %dma_start3A_208 = arith.constant 1 : i32
      %dma_start3A_209 = arith.constant 0 : i32
      %dma_start3A_210 = arith.constant 0 : i32
      %dma_start3A_211 = tpu.memref_slice %arg5[%dma_start3A_208, %dma_start3A_209, %dma_start3A_210] : memref<2x2x48xi32, #tpu.memory_space<vmem>> -> memref<1x2x48xi32, #tpu.memory_space<vmem>>
      %dma_start3A_212 = tpu.memref_squeeze %dma_start3A_211 : memref<1x2x48xi32, #tpu.memory_space<vmem>> -> memref<2x48xi32, #tpu.memory_space<vmem>>
      %dma_start3A_213 = arith.constant 0 : i32
      %dma_start3A_214 = arith.constant 0 : i32
      %dma_start3A_215 = tpu.memref_slice %arg3[%add3A, %add3A_207, %dma_start3A_213, %dma_start3A_214] : memref<32x212x2x48xi32, #tpu.memory_space<hbm>> -> memref<1x1x2x48xi32, #tpu.memory_space<hbm>>
      %dma_start3A_216 = tpu.memref_squeeze %dma_start3A_215 : memref<1x1x2x48xi32, #tpu.memory_space<hbm>> -> memref<2x48xi32, #tpu.memory_space<hbm>>
      %dma_start3A_217 = arith.constant 0 : i32
      %dma_start3A_218 = arith.constant 0 : i32
      %dma_start3A_219 = tpu.memref_slice %arg5[%dma_start3A_208, %dma_start3A_217, %dma_start3A_218] : memref<2x2x48xi32, #tpu.memory_space<vmem>> -> memref<1x2x48xi32, #tpu.memory_space<vmem>>
      %dma_start3A_220 = tpu.memref_squeeze %dma_start3A_219 : memref<1x2x48xi32, #tpu.memory_space<vmem>> -> memref<2x48xi32, #tpu.memory_space<vmem>>
      %dma_start3A_221 = arith.constant 0 : i32
      %dma_start3A_222 = arith.constant 0 : i32
      %dma_start3A_223 = tpu.memref_slice %arg3[%add3A, %add3A_207, %dma_start3A_221, %dma_start3A_222] : memref<32x212x2x48xi32, #tpu.memory_space<hbm>> -> memref<1x1x2x48xi32, #tpu.memory_space<hbm>>
      %dma_start3A_224 = tpu.memref_squeeze %dma_start3A_223 : memref<1x1x2x48xi32, #tpu.memory_space<hbm>> -> memref<2x48xi32, #tpu.memory_space<hbm>>
      tpu.enqueue_dma source(%dma_start3A_224 : memref<2x48xi32, #tpu.memory_space<hbm>>) target(%dma_start3A_220 : memref<2x48xi32, #tpu.memory_space<vmem>>) target_semaphore(%arg10 : memref<!tpu.dma_semaphore, #tpu.memory_space<semaphore_mem>>)
    }
    %scan3A_83 = arith.constant 105 : i32
    %dma_wait3A_84 = arith.constant 0 : i32
    %dma_wait3A_85 = arith.constant 0 : i32
    %dma_wait3A_86 = arith.constant 0 : i32
    %dma_wait3A_87 = tpu.memref_slice %arg5[%dma_wait3A_84, %dma_wait3A_85, %dma_wait3A_86] : memref<2x2x48xi32, #tpu.memory_space<vmem>> -> memref<1x1x48xi32, #tpu.memory_space<vmem>>
    %dma_wait3A_88 = tpu.memref_squeeze %dma_wait3A_87 : memref<1x1x48xi32, #tpu.memory_space<vmem>> -> memref<48xi32, #tpu.memory_space<vmem>>
    %dma_wait3A_89 = arith.constant 0 : i32
    %dma_wait3A_90 = arith.constant 0 : i32
    %dma_wait3A_91 = tpu.memref_slice %arg2[%dma_wait3A_89, %dma_wait3A_90] : memref<10000x128xf32, #tpu.memory_space<hbm>> -> memref<10000x128xf32, #tpu.memory_space<hbm>>
    tpu.wait_indirect_dma semaphore(%arg11 : memref<!tpu.dma_semaphore, #tpu.memory_space<semaphore_mem>>) src(%dma_wait3A_91 : memref<10000x128xf32, #tpu.memory_space<hbm>>) dst(%arg6 : memref<48x128xf32, #tpu.memory_space<vmem>>)
    %dma_wait3A_92 = arith.constant 211 : i32
    %dma_wait3A_93 = arith.constant 1 : i32
    %dma_wait3A_94 = arith.constant 0 : i32
    %dma_wait3A_95 = arith.constant 0 : i32
    %dma_wait3A_96 = tpu.memref_slice %arg5[%dma_wait3A_93, %dma_wait3A_94, %dma_wait3A_95] : memref<2x2x48xi32, #tpu.memory_space<vmem>> -> memref<1x2x48xi32, #tpu.memory_space<vmem>>
    %dma_wait3A_97 = tpu.memref_squeeze %dma_wait3A_96 : memref<1x2x48xi32, #tpu.memory_space<vmem>> -> memref<2x48xi32, #tpu.memory_space<vmem>>
    %dma_wait3A_98 = arith.constant 0 : i32
    %dma_wait3A_99 = arith.constant 0 : i32
    %dma_wait3A_100 = tpu.memref_slice %arg3[%add3A, %dma_wait3A_92, %dma_wait3A_98, %dma_wait3A_99] : memref<32x212x2x48xi32, #tpu.memory_space<hbm>> -> memref<1x1x2x48xi32, #tpu.memory_space<hbm>>
    %dma_wait3A_101 = tpu.memref_squeeze %dma_wait3A_100 : memref<1x1x2x48xi32, #tpu.memory_space<hbm>> -> memref<2x48xi32, #tpu.memory_space<hbm>>
    %dma_wait3A_102 = arith.constant 0 : i32
    %dma_wait3A_103 = arith.constant 0 : i32
    %dma_wait3A_104 = tpu.memref_slice %arg5[%dma_wait3A_93, %dma_wait3A_102, %dma_wait3A_103] : memref<2x2x48xi32, #tpu.memory_space<vmem>> -> memref<1x2x48xi32, #tpu.memory_space<vmem>>
    %dma_wait3A_105 = tpu.memref_squeeze %dma_wait3A_104 : memref<1x2x48xi32, #tpu.memory_space<vmem>> -> memref<2x48xi32, #tpu.memory_space<vmem>>
    %dma_wait3A_106 = arith.constant 0 : i32
    %dma_wait3A_107 = arith.constant 0 : i32
    %dma_wait3A_108 = tpu.memref_slice %arg3[%add3A, %dma_wait3A_92, %dma_wait3A_106, %dma_wait3A_107] : memref<32x212x2x48xi32, #tpu.memory_space<hbm>> -> memref<1x1x2x48xi32, #tpu.memory_space<hbm>>
    %dma_wait3A_109 = tpu.memref_squeeze %dma_wait3A_108 : memref<1x1x2x48xi32, #tpu.memory_space<hbm>> -> memref<2x48xi32, #tpu.memory_space<hbm>>
    tpu.wait_dma2 semaphore(%arg10 : memref<!tpu.dma_semaphore, #tpu.memory_space<semaphore_mem>>) src(%dma_wait3A_109 : memref<2x48xi32, #tpu.memory_space<hbm>>) dst(%dma_wait3A_105 : memref<2x48xi32, #tpu.memory_space<vmem>>)
    %barrier3A_110 = arith.constant 0 : index
    tpu.barrier barrier_id(%barrier3A_110)
    "tpu.region"() ({
      %run_scoped3A = tpu.sem_alloc : memref<!tpu.dma_semaphore, #tpu.memory_space<semaphore_mem>>
      %dma_start3A_111 = arith.constant 0 : i32
      %dma_start3A_112 = tpu.memref_slice %arg4[%arg0, %mul3A_8, %dma_start3A_111] : memref<2x10112x128xf32, #tpu.memory_space<hbm>> -> memref<1x632x128xf32, #tpu.memory_space<hbm>>
      %dma_start3A_113 = tpu.memref_squeeze %dma_start3A_112 : memref<1x632x128xf32, #tpu.memory_space<hbm>> -> memref<632x128xf32, #tpu.memory_space<hbm>>
      %dma_start3A_114 = arith.constant 0 : i32
      %dma_start3A_115 = tpu.memref_slice %arg8[%mul3A_8, %dma_start3A_114] : memref<10112x128xf32, #tpu.memory_space<vmem_shared>> -> memref<632x128xf32, #tpu.memory_space<vmem_shared>>
      tpu.enqueue_dma source(%dma_start3A_115 : memref<632x128xf32, #tpu.memory_space<vmem_shared>>) target(%dma_start3A_113 : memref<632x128xf32, #tpu.memory_space<hbm>>) target_semaphore(%run_scoped3A : memref<!tpu.dma_semaphore, #tpu.memory_space<semaphore_mem>>)
      %dma_wait3A_116 = arith.constant 0 : i32
      %dma_wait3A_117 = tpu.memref_slice %arg4[%arg0, %mul3A_8, %dma_wait3A_116] : memref<2x10112x128xf32, #tpu.memory_space<hbm>> -> memref<1x632x128xf32, #tpu.memory_space<hbm>>
      %dma_wait3A_118 = tpu.memref_squeeze %dma_wait3A_117 : memref<1x632x128xf32, #tpu.memory_space<hbm>> -> memref<632x128xf32, #tpu.memory_space<hbm>>
      %dma_wait3A_119 = arith.constant 0 : i32
      %dma_wait3A_120 = tpu.memref_slice %arg8[%mul3A_8, %dma_wait3A_119] : memref<10112x128xf32, #tpu.memory_space<vmem_shared>> -> memref<632x128xf32, #tpu.memory_space<vmem_shared>>
      tpu.wait_dma2 semaphore(%run_scoped3A : memref<!tpu.dma_semaphore, #tpu.memory_space<semaphore_mem>>) src(%dma_wait3A_120 : memref<632x128xf32, #tpu.memory_space<vmem_shared>>) dst(%dma_wait3A_118 : memref<632x128xf32, #tpu.memory_space<hbm>>)
      tpu.yield
    }) : () -> ()
    return
  }
}

#map = affine_map<(d0, d1) -> (0, 0, 0, 0)>
#map1 = affine_map<(d0, d1) -> (0, 0)>
module attributes {stable_mosaic.version = 14 : i64} {
  func.func @_deg_kernel(%arg0: i32, %arg1: i32, %arg2: memref<32x212x2x48xi32, #tpu.memory_space<hbm>>, %arg3: memref<32x10112xf32, #tpu.memory_space<hbm>>, %arg4: memref<2x2x48xi32, #tpu.memory_space<vmem>>, %arg5: memref<10112xf32, #tpu.memory_space<vmem>>, %arg6: memref<!tpu.dma_semaphore, #tpu.memory_space<semaphore_mem>>, %arg7: memref<!tpu.dma_semaphore, #tpu.memory_space<semaphore_mem>>) attributes {dimension_semantics = [#tpu.dimension_semantics<core_parallel>, #tpu.dimension_semantics<subcore_parallel>], iteration_bounds = array<i64: 2, 16>, scalar_prefetch = 0 : i64, scratch_operands = 4 : i64, tpu.core_type = #tpu.core_type<sc_vector_subcore>, window_params = [{transform_indices = #map}, {transform_indices = #map1}]} {
    %mul3A = arith.constant 16 : i32
    %mul3A_0 = arith.muli %arg0, %mul3A : i32
    %add3A = arith.addi %mul3A_0, %arg1 : i32
    %broadcast_in_dim3A = arith.constant 1.000000e+00 : f32
    %broadcast_in_dim3A_1 = vector.broadcast %broadcast_in_dim3A : f32 to vector<16xf32>
    %broadcast_in_dim3A_2 = arith.constant 0.000000e+00 : f32
    %broadcast_in_dim3A_3 = vector.broadcast %broadcast_in_dim3A_2 : f32 to vector<16xf32>
    %scan3A = arith.constant 0 : i32
    %scan3A_4 = arith.constant 0 : i32
    %scan3A_5 = arith.constant 632 : i32
    %scan3A_6 = arith.addi %scan3A_4, %scan3A_5 : i32
    %scan3A_7 = arith.constant 1 : i32
    scf.for %scan3A_85 = %scan3A_4 to %scan3A_6 step %scan3A_7  : i32 {
      %mul3A_86 = arith.constant 16 : i32
      %mul3A_87 = arith.muli %scan3A_85, %mul3A_86 : i32
      %swap3A = arith.index_cast %mul3A_87 : i32 to index
      %swap3A_88 = tpu.vector_load %arg5[%swap3A] {strides = array<i32>} : memref<10112xf32, #tpu.memory_space<vmem>>, vector<16xf32>,
      tpu.vector_store %arg5[%swap3A], %broadcast_in_dim3A_3 {strides = array<i32>} : memref<10112xf32, #tpu.memory_space<vmem>>, vector<16xf32>,
    }
    %scan3A_8 = arith.constant 632 : i32
    %dma_start3A = arith.constant 0 : i32
    %dma_start3A_9 = arith.constant 0 : i32
    %dma_start3A_10 = arith.constant 0 : i32
    %dma_start3A_11 = arith.constant 0 : i32
    %dma_start3A_12 = tpu.memref_slice %arg4[%dma_start3A_9, %dma_start3A_10, %dma_start3A_11] : memref<2x2x48xi32, #tpu.memory_space<vmem>> -> memref<1x2x48xi32, #tpu.memory_space<vmem>>
    %dma_start3A_13 = tpu.memref_squeeze %dma_start3A_12 : memref<1x2x48xi32, #tpu.memory_space<vmem>> -> memref<2x48xi32, #tpu.memory_space<vmem>>
    %dma_start3A_14 = arith.constant 0 : i32
    %dma_start3A_15 = arith.constant 0 : i32
    %dma_start3A_16 = tpu.memref_slice %arg2[%add3A, %dma_start3A, %dma_start3A_14, %dma_start3A_15] : memref<32x212x2x48xi32, #tpu.memory_space<hbm>> -> memref<1x1x2x48xi32, #tpu.memory_space<hbm>>
    %dma_start3A_17 = tpu.memref_squeeze %dma_start3A_16 : memref<1x1x2x48xi32, #tpu.memory_space<hbm>> -> memref<2x48xi32, #tpu.memory_space<hbm>>
    %dma_start3A_18 = arith.constant 0 : i32
    %dma_start3A_19 = arith.constant 0 : i32
    %dma_start3A_20 = tpu.memref_slice %arg4[%dma_start3A_9, %dma_start3A_18, %dma_start3A_19] : memref<2x2x48xi32, #tpu.memory_space<vmem>> -> memref<1x2x48xi32, #tpu.memory_space<vmem>>
    %dma_start3A_21 = tpu.memref_squeeze %dma_start3A_20 : memref<1x2x48xi32, #tpu.memory_space<vmem>> -> memref<2x48xi32, #tpu.memory_space<vmem>>
    %dma_start3A_22 = arith.constant 0 : i32
    %dma_start3A_23 = arith.constant 0 : i32
    %dma_start3A_24 = tpu.memref_slice %arg2[%add3A, %dma_start3A, %dma_start3A_22, %dma_start3A_23] : memref<32x212x2x48xi32, #tpu.memory_space<hbm>> -> memref<1x1x2x48xi32, #tpu.memory_space<hbm>>
    %dma_start3A_25 = tpu.memref_squeeze %dma_start3A_24 : memref<1x1x2x48xi32, #tpu.memory_space<hbm>> -> memref<2x48xi32, #tpu.memory_space<hbm>>
    tpu.enqueue_dma source(%dma_start3A_25 : memref<2x48xi32, #tpu.memory_space<hbm>>) target(%dma_start3A_21 : memref<2x48xi32, #tpu.memory_space<vmem>>) target_semaphore(%arg6 : memref<!tpu.dma_semaphore, #tpu.memory_space<semaphore_mem>>)
    %dma_start3A_26 = arith.constant 1 : i32
    %dma_start3A_27 = arith.constant 1 : i32
    %dma_start3A_28 = arith.constant 0 : i32
    %dma_start3A_29 = arith.constant 0 : i32
    %dma_start3A_30 = tpu.memref_slice %arg4[%dma_start3A_27, %dma_start3A_28, %dma_start3A_29] : memref<2x2x48xi32, #tpu.memory_space<vmem>> -> memref<1x2x48xi32, #tpu.memory_space<vmem>>
    %dma_start3A_31 = tpu.memref_squeeze %dma_start3A_30 : memref<1x2x48xi32, #tpu.memory_space<vmem>> -> memref<2x48xi32, #tpu.memory_space<vmem>>
    %dma_start3A_32 = arith.constant 0 : i32
    %dma_start3A_33 = arith.constant 0 : i32
    %dma_start3A_34 = tpu.memref_slice %arg2[%add3A, %dma_start3A_26, %dma_start3A_32, %dma_start3A_33] : memref<32x212x2x48xi32, #tpu.memory_space<hbm>> -> memref<1x1x2x48xi32, #tpu.memory_space<hbm>>
    %dma_start3A_35 = tpu.memref_squeeze %dma_start3A_34 : memref<1x1x2x48xi32, #tpu.memory_space<hbm>> -> memref<2x48xi32, #tpu.memory_space<hbm>>
    %dma_start3A_36 = arith.constant 0 : i32
    %dma_start3A_37 = arith.constant 0 : i32
    %dma_start3A_38 = tpu.memref_slice %arg4[%dma_start3A_27, %dma_start3A_36, %dma_start3A_37] : memref<2x2x48xi32, #tpu.memory_space<vmem>> -> memref<1x2x48xi32, #tpu.memory_space<vmem>>
    %dma_start3A_39 = tpu.memref_squeeze %dma_start3A_38 : memref<1x2x48xi32, #tpu.memory_space<vmem>> -> memref<2x48xi32, #tpu.memory_space<vmem>>
    %dma_start3A_40 = arith.constant 0 : i32
    %dma_start3A_41 = arith.constant 0 : i32
    %dma_start3A_42 = tpu.memref_slice %arg2[%add3A, %dma_start3A_26, %dma_start3A_40, %dma_start3A_41] : memref<32x212x2x48xi32, #tpu.memory_space<hbm>> -> memref<1x1x2x48xi32, #tpu.memory_space<hbm>>
    %dma_start3A_43 = tpu.memref_squeeze %dma_start3A_42 : memref<1x1x2x48xi32, #tpu.memory_space<hbm>> -> memref<2x48xi32, #tpu.memory_space<hbm>>
    tpu.enqueue_dma source(%dma_start3A_43 : memref<2x48xi32, #tpu.memory_space<hbm>>) target(%dma_start3A_39 : memref<2x48xi32, #tpu.memory_space<vmem>>) target_semaphore(%arg7 : memref<!tpu.dma_semaphore, #tpu.memory_space<semaphore_mem>>)
    %scan3A_44 = arith.constant 0 : i32
    %scan3A_45 = arith.constant 0 : i32
    %scan3A_46 = arith.constant 105 : i32
    %scan3A_47 = arith.addi %scan3A_45, %scan3A_46 : i32
    %scan3A_48 = arith.constant 1 : i32
    scf.for %scan3A_85 = %scan3A_45 to %scan3A_47 step %scan3A_48  : i32 {
      %mul3A_86 = arith.constant 2 : i32
      %mul3A_87 = arith.muli %scan3A_85, %mul3A_86 : i32
      %dma_wait3A_88 = arith.constant 0 : i32
      %dma_wait3A_89 = arith.constant 0 : i32
      %dma_wait3A_90 = arith.constant 0 : i32
      %dma_wait3A_91 = tpu.memref_slice %arg4[%dma_wait3A_88, %dma_wait3A_89, %dma_wait3A_90] : memref<2x2x48xi32, #tpu.memory_space<vmem>> -> memref<1x2x48xi32, #tpu.memory_space<vmem>>
      %dma_wait3A_92 = tpu.memref_squeeze %dma_wait3A_91 : memref<1x2x48xi32, #tpu.memory_space<vmem>> -> memref<2x48xi32, #tpu.memory_space<vmem>>
      %dma_wait3A_93 = arith.constant 0 : i32
      %dma_wait3A_94 = arith.constant 0 : i32
      %dma_wait3A_95 = tpu.memref_slice %arg2[%add3A, %mul3A_87, %dma_wait3A_93, %dma_wait3A_94] : memref<32x212x2x48xi32, #tpu.memory_space<hbm>> -> memref<1x1x2x48xi32, #tpu.memory_space<hbm>>
      %dma_wait3A_96 = tpu.memref_squeeze %dma_wait3A_95 : memref<1x1x2x48xi32, #tpu.memory_space<hbm>> -> memref<2x48xi32, #tpu.memory_space<hbm>>
      %dma_wait3A_97 = arith.constant 0 : i32
      %dma_wait3A_98 = arith.constant 0 : i32
      %dma_wait3A_99 = tpu.memref_slice %arg4[%dma_wait3A_88, %dma_wait3A_97, %dma_wait3A_98] : memref<2x2x48xi32, #tpu.memory_space<vmem>> -> memref<1x2x48xi32, #tpu.memory_space<vmem>>
      %dma_wait3A_100 = tpu.memref_squeeze %dma_wait3A_99 : memref<1x2x48xi32, #tpu.memory_space<vmem>> -> memref<2x48xi32, #tpu.memory_space<vmem>>
      %dma_wait3A_101 = arith.constant 0 : i32
      %dma_wait3A_102 = arith.constant 0 : i32
      %dma_wait3A_103 = tpu.memref_slice %arg2[%add3A, %mul3A_87, %dma_wait3A_101, %dma_wait3A_102] : memref<32x212x2x48xi32, #tpu.memory_space<hbm>> -> memref<1x1x2x48xi32, #tpu.memory_space<hbm>>
      %dma_wait3A_104 = tpu.memref_squeeze %dma_wait3A_103 : memref<1x1x2x48xi32, #tpu.memory_space<hbm>> -> memref<2x48xi32, #tpu.memory_space<hbm>>
      tpu.wait_dma2 semaphore(%arg6 : memref<!tpu.dma_semaphore, #tpu.memory_space<semaphore_mem>>) src(%dma_wait3A_104 : memref<2x48xi32, #tpu.memory_space<hbm>>) dst(%dma_wait3A_100 : memref<2x48xi32, #tpu.memory_space<vmem>>)
      %get3A = arith.constant 0 : i32
      %get3A_105 = arith.constant 1 : i32
      %get3A_106 = arith.index_cast %get3A : i32 to index
      %get3A_107 = arith.index_cast %get3A_105 : i32 to index
      %get3A_108 = arith.constant 0 : index
      %get3A_109 = tpu.vector_load %arg4[%get3A_106, %get3A_107, %get3A_108] {strides = array<i32>} : memref<2x2x48xi32, #tpu.memory_space<vmem>>, vector<16xi32>,
      tpu.vector_store_idx %arg5[%get3A_109], %broadcast_in_dim3A_1 {add = true} : memref<10112xf32, #tpu.memory_space<vmem>>[vector<16xi32>], vector<16xf32>,
      %get3A_110 = arith.constant 0 : i32
      %get3A_111 = arith.constant 1 : i32
      %get3A_112 = arith.index_cast %get3A_110 : i32 to index
      %get3A_113 = arith.index_cast %get3A_111 : i32 to index
      %get3A_114 = arith.constant 16 : index
      %get3A_115 = tpu.vector_load %arg4[%get3A_112, %get3A_113, %get3A_114] {strides = array<i32>} : memref<2x2x48xi32, #tpu.memory_space<vmem>>, vector<16xi32>,
      tpu.vector_store_idx %arg5[%get3A_115], %broadcast_in_dim3A_1 {add = true} : memref<10112xf32, #tpu.memory_space<vmem>>[vector<16xi32>], vector<16xf32>,
      %get3A_116 = arith.constant 0 : i32
      %get3A_117 = arith.constant 1 : i32
      %get3A_118 = arith.index_cast %get3A_116 : i32 to index
      %get3A_119 = arith.index_cast %get3A_117 : i32 to index
      %get3A_120 = arith.constant 32 : index
      %get3A_121 = tpu.vector_load %arg4[%get3A_118, %get3A_119, %get3A_120] {strides = array<i32>} : memref<2x2x48xi32, #tpu.memory_space<vmem>>, vector<16xi32>,
      tpu.vector_store_idx %arg5[%get3A_121], %broadcast_in_dim3A_1 {add = true} : memref<10112xf32, #tpu.memory_space<vmem>>[vector<16xi32>], vector<16xf32>,
      %add3A_122 = arith.constant 2 : i32
      %add3A_123 = arith.addi %mul3A_87, %add3A_122 : i32
      %dma_start3A_124 = arith.constant 0 : i32
      %dma_start3A_125 = arith.constant 0 : i32
      %dma_start3A_126 = arith.constant 0 : i32
      %dma_start3A_127 = tpu.memref_slice %arg4[%dma_start3A_124, %dma_start3A_125, %dma_start3A_126] : memref<2x2x48xi32, #tpu.memory_space<vmem>> -> memref<1x2x48xi32, #tpu.memory_space<vmem>>
      %dma_start3A_128 = tpu.memref_squeeze %dma_start3A_127 : memref<1x2x48xi32, #tpu.memory_space<vmem>> -> memref<2x48xi32, #tpu.memory_space<vmem>>
      %dma_start3A_129 = arith.constant 0 : i32
      %dma_start3A_130 = arith.constant 0 : i32
      %dma_start3A_131 = tpu.memref_slice %arg2[%add3A, %add3A_123, %dma_start3A_129, %dma_start3A_130] : memref<32x212x2x48xi32, #tpu.memory_space<hbm>> -> memref<1x1x2x48xi32, #tpu.memory_space<hbm>>
      %dma_start3A_132 = tpu.memref_squeeze %dma_start3A_131 : memref<1x1x2x48xi32, #tpu.memory_space<hbm>> -> memref<2x48xi32, #tpu.memory_space<hbm>>
      %dma_start3A_133 = arith.constant 0 : i32
      %dma_start3A_134 = arith.constant 0 : i32
      %dma_start3A_135 = tpu.memref_slice %arg4[%dma_start3A_124, %dma_start3A_133, %dma_start3A_134] : memref<2x2x48xi32, #tpu.memory_space<vmem>> -> memref<1x2x48xi32, #tpu.memory_space<vmem>>
      %dma_start3A_136 = tpu.memref_squeeze %dma_start3A_135 : memref<1x2x48xi32, #tpu.memory_space<vmem>> -> memref<2x48xi32, #tpu.memory_space<vmem>>
      %dma_start3A_137 = arith.constant 0 : i32
      %dma_start3A_138 = arith.constant 0 : i32
      %dma_start3A_139 = tpu.memref_slice %arg2[%add3A, %add3A_123, %dma_start3A_137, %dma_start3A_138] : memref<32x212x2x48xi32, #tpu.memory_space<hbm>> -> memref<1x1x2x48xi32, #tpu.memory_space<hbm>>
      %dma_start3A_140 = tpu.memref_squeeze %dma_start3A_139 : memref<1x1x2x48xi32, #tpu.memory_space<hbm>> -> memref<2x48xi32, #tpu.memory_space<hbm>>
      tpu.enqueue_dma source(%dma_start3A_140 : memref<2x48xi32, #tpu.memory_space<hbm>>) target(%dma_start3A_136 : memref<2x48xi32, #tpu.memory_space<vmem>>) target_semaphore(%arg6 : memref<!tpu.dma_semaphore, #tpu.memory_space<semaphore_mem>>)
      %add3A_141 = arith.constant 1 : i32
      %add3A_142 = arith.addi %mul3A_87, %add3A_141 : i32
      %dma_wait3A_143 = arith.constant 1 : i32
      %dma_wait3A_144 = arith.constant 0 : i32
      %dma_wait3A_145 = arith.constant 0 : i32
      %dma_wait3A_146 = tpu.memref_slice %arg4[%dma_wait3A_143, %dma_wait3A_144, %dma_wait3A_145] : memref<2x2x48xi32, #tpu.memory_space<vmem>> -> memref<1x2x48xi32, #tpu.memory_space<vmem>>
      %dma_wait3A_147 = tpu.memref_squeeze %dma_wait3A_146 : memref<1x2x48xi32, #tpu.memory_space<vmem>> -> memref<2x48xi32, #tpu.memory_space<vmem>>
      %dma_wait3A_148 = arith.constant 0 : i32
      %dma_wait3A_149 = arith.constant 0 : i32
      %dma_wait3A_150 = tpu.memref_slice %arg2[%add3A, %add3A_142, %dma_wait3A_148, %dma_wait3A_149] : memref<32x212x2x48xi32, #tpu.memory_space<hbm>> -> memref<1x1x2x48xi32, #tpu.memory_space<hbm>>
      %dma_wait3A_151 = tpu.memref_squeeze %dma_wait3A_150 : memref<1x1x2x48xi32, #tpu.memory_space<hbm>> -> memref<2x48xi32, #tpu.memory_space<hbm>>
      %dma_wait3A_152 = arith.constant 0 : i32
      %dma_wait3A_153 = arith.constant 0 : i32
      %dma_wait3A_154 = tpu.memref_slice %arg4[%dma_wait3A_143, %dma_wait3A_152, %dma_wait3A_153] : memref<2x2x48xi32, #tpu.memory_space<vmem>> -> memref<1x2x48xi32, #tpu.memory_space<vmem>>
      %dma_wait3A_155 = tpu.memref_squeeze %dma_wait3A_154 : memref<1x2x48xi32, #tpu.memory_space<vmem>> -> memref<2x48xi32, #tpu.memory_space<vmem>>
      %dma_wait3A_156 = arith.constant 0 : i32
      %dma_wait3A_157 = arith.constant 0 : i32
      %dma_wait3A_158 = tpu.memref_slice %arg2[%add3A, %add3A_142, %dma_wait3A_156, %dma_wait3A_157] : memref<32x212x2x48xi32, #tpu.memory_space<hbm>> -> memref<1x1x2x48xi32, #tpu.memory_space<hbm>>
      %dma_wait3A_159 = tpu.memref_squeeze %dma_wait3A_158 : memref<1x1x2x48xi32, #tpu.memory_space<hbm>> -> memref<2x48xi32, #tpu.memory_space<hbm>>
      tpu.wait_dma2 semaphore(%arg7 : memref<!tpu.dma_semaphore, #tpu.memory_space<semaphore_mem>>) src(%dma_wait3A_159 : memref<2x48xi32, #tpu.memory_space<hbm>>) dst(%dma_wait3A_155 : memref<2x48xi32, #tpu.memory_space<vmem>>)
      %add3A_160 = arith.constant 1 : i32
      %add3A_161 = arith.addi %mul3A_87, %add3A_160 : i32
      %get3A_162 = arith.constant 1 : i32
      %get3A_163 = arith.constant 1 : i32
      %get3A_164 = arith.index_cast %get3A_162 : i32 to index
      %get3A_165 = arith.index_cast %get3A_163 : i32 to index
      %get3A_166 = arith.constant 0 : index
      %get3A_167 = tpu.vector_load %arg4[%get3A_164, %get3A_165, %get3A_166] {strides = array<i32>} : memref<2x2x48xi32, #tpu.memory_space<vmem>>, vector<16xi32>,
      tpu.vector_store_idx %arg5[%get3A_167], %broadcast_in_dim3A_1 {add = true} : memref<10112xf32, #tpu.memory_space<vmem>>[vector<16xi32>], vector<16xf32>,
      %get3A_168 = arith.constant 1 : i32
      %get3A_169 = arith.constant 1 : i32
      %get3A_170 = arith.index_cast %get3A_168 : i32 to index
      %get3A_171 = arith.index_cast %get3A_169 : i32 to index
      %get3A_172 = arith.constant 16 : index
      %get3A_173 = tpu.vector_load %arg4[%get3A_170, %get3A_171, %get3A_172] {strides = array<i32>} : memref<2x2x48xi32, #tpu.memory_space<vmem>>, vector<16xi32>,
      tpu.vector_store_idx %arg5[%get3A_173], %broadcast_in_dim3A_1 {add = true} : memref<10112xf32, #tpu.memory_space<vmem>>[vector<16xi32>], vector<16xf32>,
      %get3A_174 = arith.constant 1 : i32
      %get3A_175 = arith.constant 1 : i32
      %get3A_176 = arith.index_cast %get3A_174 : i32 to index
      %get3A_177 = arith.index_cast %get3A_175 : i32 to index
      %get3A_178 = arith.constant 32 : index
      %get3A_179 = tpu.vector_load %arg4[%get3A_176, %get3A_177, %get3A_178] {strides = array<i32>} : memref<2x2x48xi32, #tpu.memory_space<vmem>>, vector<16xi32>,
      tpu.vector_store_idx %arg5[%get3A_179], %broadcast_in_dim3A_1 {add = true} : memref<10112xf32, #tpu.memory_space<vmem>>[vector<16xi32>], vector<16xf32>,
      %add3A_180 = arith.constant 3 : i32
      %add3A_181 = arith.addi %mul3A_87, %add3A_180 : i32
      %dma_start3A_182 = arith.constant 1 : i32
      %dma_start3A_183 = arith.constant 0 : i32
      %dma_start3A_184 = arith.constant 0 : i32
      %dma_start3A_185 = tpu.memref_slice %arg4[%dma_start3A_182, %dma_start3A_183, %dma_start3A_184] : memref<2x2x48xi32, #tpu.memory_space<vmem>> -> memref<1x2x48xi32, #tpu.memory_space<vmem>>
      %dma_start3A_186 = tpu.memref_squeeze %dma_start3A_185 : memref<1x2x48xi32, #tpu.memory_space<vmem>> -> memref<2x48xi32, #tpu.memory_space<vmem>>
      %dma_start3A_187 = arith.constant 0 : i32
      %dma_start3A_188 = arith.constant 0 : i32
      %dma_start3A_189 = tpu.memref_slice %arg2[%add3A, %add3A_181, %dma_start3A_187, %dma_start3A_188] : memref<32x212x2x48xi32, #tpu.memory_space<hbm>> -> memref<1x1x2x48xi32, #tpu.memory_space<hbm>>
      %dma_start3A_190 = tpu.memref_squeeze %dma_start3A_189 : memref<1x1x2x48xi32, #tpu.memory_space<hbm>> -> memref<2x48xi32, #tpu.memory_space<hbm>>
      %dma_start3A_191 = arith.constant 0 : i32
      %dma_start3A_192 = arith.constant 0 : i32
      %dma_start3A_193 = tpu.memref_slice %arg4[%dma_start3A_182, %dma_start3A_191, %dma_start3A_192] : memref<2x2x48xi32, #tpu.memory_space<vmem>> -> memref<1x2x48xi32, #tpu.memory_space<vmem>>
      %dma_start3A_194 = tpu.memref_squeeze %dma_start3A_193 : memref<1x2x48xi32, #tpu.memory_space<vmem>> -> memref<2x48xi32, #tpu.memory_space<vmem>>
      %dma_start3A_195 = arith.constant 0 : i32
      %dma_start3A_196 = arith.constant 0 : i32
      %dma_start3A_197 = tpu.memref_slice %arg2[%add3A, %add3A_181, %dma_start3A_195, %dma_start3A_196] : memref<32x212x2x48xi32, #tpu.memory_space<hbm>> -> memref<1x1x2x48xi32, #tpu.memory_space<hbm>>
      %dma_start3A_198 = tpu.memref_squeeze %dma_start3A_197 : memref<1x1x2x48xi32, #tpu.memory_space<hbm>> -> memref<2x48xi32, #tpu.memory_space<hbm>>
      tpu.enqueue_dma source(%dma_start3A_198 : memref<2x48xi32, #tpu.memory_space<hbm>>) target(%dma_start3A_194 : memref<2x48xi32, #tpu.memory_space<vmem>>) target_semaphore(%arg7 : memref<!tpu.dma_semaphore, #tpu.memory_space<semaphore_mem>>)
    }
    %scan3A_49 = arith.constant 105 : i32
    %dma_wait3A = arith.constant 210 : i32
    %dma_wait3A_50 = arith.constant 0 : i32
    %dma_wait3A_51 = arith.constant 0 : i32
    %dma_wait3A_52 = arith.constant 0 : i32
    %dma_wait3A_53 = tpu.memref_slice %arg4[%dma_wait3A_50, %dma_wait3A_51, %dma_wait3A_52] : memref<2x2x48xi32, #tpu.memory_space<vmem>> -> memref<1x2x48xi32, #tpu.memory_space<vmem>>
    %dma_wait3A_54 = tpu.memref_squeeze %dma_wait3A_53 : memref<1x2x48xi32, #tpu.memory_space<vmem>> -> memref<2x48xi32, #tpu.memory_space<vmem>>
    %dma_wait3A_55 = arith.constant 0 : i32
    %dma_wait3A_56 = arith.constant 0 : i32
    %dma_wait3A_57 = tpu.memref_slice %arg2[%add3A, %dma_wait3A, %dma_wait3A_55, %dma_wait3A_56] : memref<32x212x2x48xi32, #tpu.memory_space<hbm>> -> memref<1x1x2x48xi32, #tpu.memory_space<hbm>>
    %dma_wait3A_58 = tpu.memref_squeeze %dma_wait3A_57 : memref<1x1x2x48xi32, #tpu.memory_space<hbm>> -> memref<2x48xi32, #tpu.memory_space<hbm>>
    %dma_wait3A_59 = arith.constant 0 : i32
    %dma_wait3A_60 = arith.constant 0 : i32
    %dma_wait3A_61 = tpu.memref_slice %arg4[%dma_wait3A_50, %dma_wait3A_59, %dma_wait3A_60] : memref<2x2x48xi32, #tpu.memory_space<vmem>> -> memref<1x2x48xi32, #tpu.memory_space<vmem>>
    %dma_wait3A_62 = tpu.memref_squeeze %dma_wait3A_61 : memref<1x2x48xi32, #tpu.memory_space<vmem>> -> memref<2x48xi32, #tpu.memory_space<vmem>>
    %dma_wait3A_63 = arith.constant 0 : i32
    %dma_wait3A_64 = arith.constant 0 : i32
    %dma_wait3A_65 = tpu.memref_slice %arg2[%add3A, %dma_wait3A, %dma_wait3A_63, %dma_wait3A_64] : memref<32x212x2x48xi32, #tpu.memory_space<hbm>> -> memref<1x1x2x48xi32, #tpu.memory_space<hbm>>
    %dma_wait3A_66 = tpu.memref_squeeze %dma_wait3A_65 : memref<1x1x2x48xi32, #tpu.memory_space<hbm>> -> memref<2x48xi32, #tpu.memory_space<hbm>>
    tpu.wait_dma2 semaphore(%arg6 : memref<!tpu.dma_semaphore, #tpu.memory_space<semaphore_mem>>) src(%dma_wait3A_66 : memref<2x48xi32, #tpu.memory_space<hbm>>) dst(%dma_wait3A_62 : memref<2x48xi32, #tpu.memory_space<vmem>>)
    %dma_wait3A_67 = arith.constant 211 : i32
    %dma_wait3A_68 = arith.constant 1 : i32
    %dma_wait3A_69 = arith.constant 0 : i32
    %dma_wait3A_70 = arith.constant 0 : i32
    %dma_wait3A_71 = tpu.memref_slice %arg4[%dma_wait3A_68, %dma_wait3A_69, %dma_wait3A_70] : memref<2x2x48xi32, #tpu.memory_space<vmem>> -> memref<1x2x48xi32, #tpu.memory_space<vmem>>
    %dma_wait3A_72 = tpu.memref_squeeze %dma_wait3A_71 : memref<1x2x48xi32, #tpu.memory_space<vmem>> -> memref<2x48xi32, #tpu.memory_space<vmem>>
    %dma_wait3A_73 = arith.constant 0 : i32
    %dma_wait3A_74 = arith.constant 0 : i32
    %dma_wait3A_75 = tpu.memref_slice %arg2[%add3A, %dma_wait3A_67, %dma_wait3A_73, %dma_wait3A_74] : memref<32x212x2x48xi32, #tpu.memory_space<hbm>> -> memref<1x1x2x48xi32, #tpu.memory_space<hbm>>
    %dma_wait3A_76 = tpu.memref_squeeze %dma_wait3A_75 : memref<1x1x2x48xi32, #tpu.memory_space<hbm>> -> memref<2x48xi32, #tpu.memory_space<hbm>>
    %dma_wait3A_77 = arith.constant 0 : i32
    %dma_wait3A_78 = arith.constant 0 : i32
    %dma_wait3A_79 = tpu.memref_slice %arg4[%dma_wait3A_68, %dma_wait3A_77, %dma_wait3A_78] : memref<2x2x48xi32, #tpu.memory_space<vmem>> -> memref<1x2x48xi32, #tpu.memory_space<vmem>>
    %dma_wait3A_80 = tpu.memref_squeeze %dma_wait3A_79 : memref<1x2x48xi32, #tpu.memory_space<vmem>> -> memref<2x48xi32, #tpu.memory_space<vmem>>
    %dma_wait3A_81 = arith.constant 0 : i32
    %dma_wait3A_82 = arith.constant 0 : i32
    %dma_wait3A_83 = tpu.memref_slice %arg2[%add3A, %dma_wait3A_67, %dma_wait3A_81, %dma_wait3A_82] : memref<32x212x2x48xi32, #tpu.memory_space<hbm>> -> memref<1x1x2x48xi32, #tpu.memory_space<hbm>>
    %dma_wait3A_84 = tpu.memref_squeeze %dma_wait3A_83 : memref<1x1x2x48xi32, #tpu.memory_space<hbm>> -> memref<2x48xi32, #tpu.memory_space<hbm>>
    tpu.wait_dma2 semaphore(%arg7 : memref<!tpu.dma_semaphore, #tpu.memory_space<semaphore_mem>>) src(%dma_wait3A_84 : memref<2x48xi32, #tpu.memory_space<hbm>>) dst(%dma_wait3A_80 : memref<2x48xi32, #tpu.memory_space<vmem>>)
    "tpu.region"() ({
      %run_scoped3A = tpu.sem_alloc : memref<!tpu.dma_semaphore, #tpu.memory_space<semaphore_mem>>
      %dma_start3A_85 = arith.constant 0 : i32
      %dma_start3A_86 = tpu.memref_slice %arg3[%add3A, %dma_start3A_85] : memref<32x10112xf32, #tpu.memory_space<hbm>> -> memref<1x10112xf32, #tpu.memory_space<hbm>>
      %dma_start3A_87 = tpu.memref_squeeze %dma_start3A_86 : memref<1x10112xf32, #tpu.memory_space<hbm>> -> memref<10112xf32, #tpu.memory_space<hbm>>
      %dma_start3A_88 = arith.constant 0 : i32
      %dma_start3A_89 = tpu.memref_slice %arg3[%add3A, %dma_start3A_88] : memref<32x10112xf32, #tpu.memory_space<hbm>> -> memref<1x10112xf32, #tpu.memory_space<hbm>>
      %dma_start3A_90 = tpu.memref_squeeze %dma_start3A_89 : memref<1x10112xf32, #tpu.memory_space<hbm>> -> memref<10112xf32, #tpu.memory_space<hbm>>
      tpu.enqueue_dma source(%arg5 : memref<10112xf32, #tpu.memory_space<vmem>>) target(%dma_start3A_90 : memref<10112xf32, #tpu.memory_space<hbm>>) target_semaphore(%run_scoped3A : memref<!tpu.dma_semaphore, #tpu.memory_space<semaphore_mem>>)
      %dma_wait3A_91 = arith.constant 0 : i32
      %dma_wait3A_92 = tpu.memref_slice %arg3[%add3A, %dma_wait3A_91] : memref<32x10112xf32, #tpu.memory_space<hbm>> -> memref<1x10112xf32, #tpu.memory_space<hbm>>
      %dma_wait3A_93 = tpu.memref_squeeze %dma_wait3A_92 : memref<1x10112xf32, #tpu.memory_space<hbm>> -> memref<10112xf32, #tpu.memory_space<hbm>>
      %dma_wait3A_94 = arith.constant 0 : i32
      %dma_wait3A_95 = tpu.memref_slice %arg3[%add3A, %dma_wait3A_94] : memref<32x10112xf32, #tpu.memory_space<hbm>> -> memref<1x10112xf32, #tpu.memory_space<hbm>>
      %dma_wait3A_96 = tpu.memref_squeeze %dma_wait3A_95 : memref<1x10112xf32, #tpu.memory_space<hbm>> -> memref<10112xf32, #tpu.memory_space<hbm>>
      tpu.wait_dma2 semaphore(%run_scoped3A : memref<!tpu.dma_semaphore, #tpu.memory_space<semaphore_mem>>) src(%arg5 : memref<10112xf32, #tpu.memory_space<vmem>>) dst(%dma_wait3A_96 : memref<10112xf32, #tpu.memory_space<hbm>>)
      tpu.yield
    }) : () -> ()
    return
  }
}

#map = affine_map<(d0, d1) -> (0, 0)>
#map1 = affine_map<(d0, d1) -> (0, 0, 0, 0)>
#map2 = affine_map<(d0, d1) -> (0, 0, 0)>
module attributes {stable_mosaic.version = 14 : i64} {
  func.func @_agg_kernel(%arg0: i32, %arg1: i32, %arg2: memref<10000x128xf32, #tpu.memory_space<hbm>>, %arg3: memref<32x212x2x48xi32, #tpu.memory_space<hbm>>, %arg4: memref<2x10112x128xf32, #tpu.memory_space<hbm>>, %arg5: memref<2x2x48xi32, #tpu.memory_space<vmem>>, %arg6: memref<48x128xf32, #tpu.memory_space<vmem>>, %arg7: memref<48x128xf32, #tpu.memory_space<vmem>>, %arg8: memref<10112x128xf32, #tpu.memory_space<vmem_shared>>, %arg9: memref<!tpu.dma_semaphore, #tpu.memory_space<semaphore_mem>>, %arg10: memref<!tpu.dma_semaphore, #tpu.memory_space<semaphore_mem>>, %arg11: memref<!tpu.dma_semaphore, #tpu.memory_space<semaphore_mem>>, %arg12: memref<!tpu.dma_semaphore, #tpu.memory_space<semaphore_mem>>) attributes {dimension_semantics = [#tpu.dimension_semantics<core_parallel>, #tpu.dimension_semantics<subcore_parallel>], iteration_bounds = array<i64: 2, 16>, scalar_prefetch = 0 : i64, scratch_operands = 8 : i64, tpu.core_type = #tpu.core_type<sc_vector_subcore>, window_params = [{transform_indices = #map}, {transform_indices = #map1}, {transform_indices = #map2}]} {
    %mul3A = arith.constant 16 : i32
    %mul3A_0 = arith.muli %arg0, %mul3A : i32
    %add3A = arith.addi %mul3A_0, %arg1 : i32
    %broadcast_in_dim3A = arith.constant 0.000000e+00 : f32
    %broadcast_in_dim3A_1 = vector.broadcast %broadcast_in_dim3A : f32 to vector<16xf32>
    %scan3A = arith.constant 0 : i32
    %scan3A_2 = arith.constant 0 : i32
    %scan3A_3 = arith.constant 48 : i32
    %scan3A_4 = arith.addi %scan3A_2, %scan3A_3 : i32
    %scan3A_5 = arith.constant 1 : i32
    scf.for %scan3A_111 = %scan3A_2 to %scan3A_4 step %scan3A_5  : i32 {
      %swap3A = arith.index_cast %scan3A_111 : i32 to index
      %swap3A_112 = arith.constant 0 : index
      %swap3A_113 = tpu.vector_load %arg6[%swap3A, %swap3A_112] {strides = array<i32>} : memref<48x128xf32, #tpu.memory_space<vmem>>, vector<1x16xf32>,
      %swap3A_114 = vector.shape_cast %swap3A_113 : vector<1x16xf32> to vector<16xf32>
      %swap3A_115 = vector.shape_cast %broadcast_in_dim3A_1 : vector<16xf32> to vector<1x16xf32>
      tpu.vector_store %arg6[%swap3A, %swap3A_112], %swap3A_115 {strides = array<i32>} : memref<48x128xf32, #tpu.memory_space<vmem>>, vector<1x16xf32>,
      %swap3A_116 = arith.index_cast %scan3A_111 : i32 to index
      %swap3A_117 = arith.constant 16 : index
      %swap3A_118 = tpu.vector_load %arg6[%swap3A_116, %swap3A_117] {strides = array<i32>} : memref<48x128xf32, #tpu.memory_space<vmem>>, vector<1x16xf32>,
      %swap3A_119 = vector.shape_cast %swap3A_118 : vector<1x16xf32> to vector<16xf32>
      %swap3A_120 = vector.shape_cast %broadcast_in_dim3A_1 : vector<16xf32> to vector<1x16xf32>
      tpu.vector_store %arg6[%swap3A_116, %swap3A_117], %swap3A_120 {strides = array<i32>} : memref<48x128xf32, #tpu.memory_space<vmem>>, vector<1x16xf32>,
      %swap3A_121 = arith.index_cast %scan3A_111 : i32 to index
      %swap3A_122 = arith.constant 32 : index
      %swap3A_123 = tpu.vector_load %arg6[%swap3A_121, %swap3A_122] {strides = array<i32>} : memref<48x128xf32, #tpu.memory_space<vmem>>, vector<1x16xf32>,
      %swap3A_124 = vector.shape_cast %swap3A_123 : vector<1x16xf32> to vector<16xf32>
      %swap3A_125 = vector.shape_cast %broadcast_in_dim3A_1 : vector<16xf32> to vector<1x16xf32>
      tpu.vector_store %arg6[%swap3A_121, %swap3A_122], %swap3A_125 {strides = array<i32>} : memref<48x128xf32, #tpu.memory_space<vmem>>, vector<1x16xf32>,
      %swap3A_126 = arith.index_cast %scan3A_111 : i32 to index
      %swap3A_127 = arith.constant 48 : index
      %swap3A_128 = tpu.vector_load %arg6[%swap3A_126, %swap3A_127] {strides = array<i32>} : memref<48x128xf32, #tpu.memory_space<vmem>>, vector<1x16xf32>,
      %swap3A_129 = vector.shape_cast %swap3A_128 : vector<1x16xf32> to vector<16xf32>
      %swap3A_130 = vector.shape_cast %broadcast_in_dim3A_1 : vector<16xf32> to vector<1x16xf32>
      tpu.vector_store %arg6[%swap3A_126, %swap3A_127], %swap3A_130 {strides = array<i32>} : memref<48x128xf32, #tpu.memory_space<vmem>>, vector<1x16xf32>,
      %swap3A_131 = arith.index_cast %scan3A_111 : i32 to index
      %swap3A_132 = arith.constant 64 : index
      %swap3A_133 = tpu.vector_load %arg6[%swap3A_131, %swap3A_132] {strides = array<i32>} : memref<48x128xf32, #tpu.memory_space<vmem>>, vector<1x16xf32>,
      %swap3A_134 = vector.shape_cast %swap3A_133 : vector<1x16xf32> to vector<16xf32>
      %swap3A_135 = vector.shape_cast %broadcast_in_dim3A_1 : vector<16xf32> to vector<1x16xf32>
      tpu.vector_store %arg6[%swap3A_131, %swap3A_132], %swap3A_135 {strides = array<i32>} : memref<48x128xf32, #tpu.memory_space<vmem>>, vector<1x16xf32>,
      %swap3A_136 = arith.index_cast %scan3A_111 : i32 to index
      %swap3A_137 = arith.constant 80 : index
      %swap3A_138 = tpu.vector_load %arg6[%swap3A_136, %swap3A_137] {strides = array<i32>} : memref<48x128xf32, #tpu.memory_space<vmem>>, vector<1x16xf32>,
      %swap3A_139 = vector.shape_cast %swap3A_138 : vector<1x16xf32> to vector<16xf32>
      %swap3A_140 = vector.shape_cast %broadcast_in_dim3A_1 : vector<16xf32> to vector<1x16xf32>
      tpu.vector_store %arg6[%swap3A_136, %swap3A_137], %swap3A_140 {strides = array<i32>} : memref<48x128xf32, #tpu.memory_space<vmem>>, vector<1x16xf32>,
      %swap3A_141 = arith.index_cast %scan3A_111 : i32 to index
      %swap3A_142 = arith.constant 96 : index
      %swap3A_143 = tpu.vector_load %arg6[%swap3A_141, %swap3A_142] {strides = array<i32>} : memref<48x128xf32, #tpu.memory_space<vmem>>, vector<1x16xf32>,
      %swap3A_144 = vector.shape_cast %swap3A_143 : vector<1x16xf32> to vector<16xf32>
      %swap3A_145 = vector.shape_cast %broadcast_in_dim3A_1 : vector<16xf32> to vector<1x16xf32>
      tpu.vector_store %arg6[%swap3A_141, %swap3A_142], %swap3A_145 {strides = array<i32>} : memref<48x128xf32, #tpu.memory_space<vmem>>, vector<1x16xf32>,
      %swap3A_146 = arith.index_cast %scan3A_111 : i32 to index
      %swap3A_147 = arith.constant 112 : index
      %swap3A_148 = tpu.vector_load %arg6[%swap3A_146, %swap3A_147] {strides = array<i32>} : memref<48x128xf32, #tpu.memory_space<vmem>>, vector<1x16xf32>,
      %swap3A_149 = vector.shape_cast %swap3A_148 : vector<1x16xf32> to vector<16xf32>
      %swap3A_150 = vector.shape_cast %broadcast_in_dim3A_1 : vector<16xf32> to vector<1x16xf32>
      tpu.vector_store %arg6[%swap3A_146, %swap3A_147], %swap3A_150 {strides = array<i32>} : memref<48x128xf32, #tpu.memory_space<vmem>>, vector<1x16xf32>,
    }
    %scan3A_6 = arith.constant 48 : i32
    %mul3A_7 = arith.constant 632 : i32
    %mul3A_8 = arith.muli %arg1, %mul3A_7 : i32
    %scan3A_9 = arith.constant 0 : i32
    %scan3A_10 = arith.constant 0 : i32
    %scan3A_11 = arith.constant 13 : i32
    %scan3A_12 = arith.addi %scan3A_10, %scan3A_11 : i32
    %scan3A_13 = arith.constant 1 : i32
    scf.for %scan3A_111 = %scan3A_10 to %scan3A_12 step %scan3A_13  : i32 {
      %mul3A_112 = arith.constant 48 : i32
      %mul3A_113 = arith.muli %scan3A_111, %mul3A_112 : i32
      %add3A_114 = arith.addi %mul3A_8, %mul3A_113 : i32
      "tpu.region"() ({
        %run_scoped3A = tpu.sem_alloc : memref<!tpu.dma_semaphore, #tpu.memory_space<semaphore_mem>>
        %dma_start3A_115 = arith.constant 0 : i32
        %dma_start3A_116 = tpu.memref_slice %arg8[%add3A_114, %dma_start3A_115] : memref<10112x128xf32, #tpu.memory_space<vmem_shared>> -> memref<48x128xf32, #tpu.memory_space<vmem_shared>>
        %dma_start3A_117 = arith.constant 0 : i32
        %dma_start3A_118 = tpu.memref_slice %arg8[%add3A_114, %dma_start3A_117] : memref<10112x128xf32, #tpu.memory_space<vmem_shared>> -> memref<48x128xf32, #tpu.memory_space<vmem_shared>>
        tpu.enqueue_dma source(%arg6 : memref<48x128xf32, #tpu.memory_space<vmem>>) target(%dma_start3A_118 : memref<48x128xf32, #tpu.memory_space<vmem_shared>>) target_semaphore(%run_scoped3A : memref<!tpu.dma_semaphore, #tpu.memory_space<semaphore_mem>>)
        %dma_wait3A_119 = arith.constant 0 : i32
        %dma_wait3A_120 = tpu.memref_slice %arg8[%add3A_114, %dma_wait3A_119] : memref<10112x128xf32, #tpu.memory_space<vmem_shared>> -> memref<48x128xf32, #tpu.memory_space<vmem_shared>>
        %dma_wait3A_121 = arith.constant 0 : i32
        %dma_wait3A_122 = tpu.memref_slice %arg8[%add3A_114, %dma_wait3A_121] : memref<10112x128xf32, #tpu.memory_space<vmem_shared>> -> memref<48x128xf32, #tpu.memory_space<vmem_shared>>
        tpu.wait_dma2 semaphore(%run_scoped3A : memref<!tpu.dma_semaphore, #tpu.memory_space<semaphore_mem>>) src(%arg6 : memref<48x128xf32, #tpu.memory_space<vmem>>) dst(%dma_wait3A_122 : memref<48x128xf32, #tpu.memory_space<vmem_shared>>)
        tpu.yield
      }) : () -> ()
    }
    %scan3A_14 = arith.constant 13 : i32
    %add3A_15 = arith.constant 632 : i32
    %add3A_16 = arith.addi %mul3A_8, %add3A_15 : i32
    %sub3A = arith.constant 8 : i32
    %sub3A_17 = arith.subi %add3A_16, %sub3A : i32
    "tpu.region"() ({
      %run_scoped3A = tpu.sem_alloc : memref<!tpu.dma_semaphore, #tpu.memory_space<semaphore_mem>>
      %dma_start3A_111 = arith.constant 0 : i32
      %dma_start3A_112 = arith.constant 0 : i32
      %dma_start3A_113 = tpu.memref_slice %arg6[%dma_start3A_111, %dma_start3A_112] : memref<48x128xf32, #tpu.memory_space<vmem>> -> memref<8x128xf32, #tpu.memory_space<vmem>>
      %dma_start3A_114 = arith.constant 0 : i32
      %dma_start3A_115 = tpu.memref_slice %arg8[%sub3A_17, %dma_start3A_114] : memref<10112x128xf32, #tpu.memory_space<vmem_shared>> -> memref<8x128xf32, #tpu.memory_space<vmem_shared>>
      %dma_start3A_116 = arith.constant 0 : i32
      %dma_start3A_117 = tpu.memref_slice %arg8[%sub3A_17, %dma_start3A_116] : memref<10112x128xf32, #tpu.memory_space<vmem_shared>> -> memref<8x128xf32, #tpu.memory_space<vmem_shared>>
      %dma_start3A_118 = arith.constant 0 : i32
      %dma_start3A_119 = arith.constant 0 : i32
      %dma_start3A_120 = tpu.memref_slice %arg6[%dma_start3A_118, %dma_start3A_119] : memref<48x128xf32, #tpu.memory_space<vmem>> -> memref<8x128xf32, #tpu.memory_space<vmem>>
      tpu.enqueue_dma source(%dma_start3A_120 : memref<8x128xf32, #tpu.memory_space<vmem>>) target(%dma_start3A_117 : memref<8x128xf32, #tpu.memory_space<vmem_shared>>) target_semaphore(%run_scoped3A : memref<!tpu.dma_semaphore, #tpu.memory_space<semaphore_mem>>)
      %dma_wait3A_121 = arith.constant 0 : i32
      %dma_wait3A_122 = arith.constant 0 : i32
      %dma_wait3A_123 = tpu.memref_slice %arg6[%dma_wait3A_121, %dma_wait3A_122] : memref<48x128xf32, #tpu.memory_space<vmem>> -> memref<8x128xf32, #tpu.memory_space<vmem>>
      %dma_wait3A_124 = arith.constant 0 : i32
      %dma_wait3A_125 = tpu.memref_slice %arg8[%sub3A_17, %dma_wait3A_124] : memref<10112x128xf32, #tpu.memory_space<vmem_shared>> -> memref<8x128xf32, #tpu.memory_space<vmem_shared>>
      %dma_wait3A_126 = arith.constant 0 : i32
      %dma_wait3A_127 = tpu.memref_slice %arg8[%sub3A_17, %dma_wait3A_126] : memref<10112x128xf32, #tpu.memory_space<vmem_shared>> -> memref<8x128xf32, #tpu.memory_space<vmem_shared>>
      %dma_wait3A_128 = arith.constant 0 : i32
      %dma_wait3A_129 = arith.constant 0 : i32
      %dma_wait3A_130 = tpu.memref_slice %arg6[%dma_wait3A_128, %dma_wait3A_129] : memref<48x128xf32, #tpu.memory_space<vmem>> -> memref<8x128xf32, #tpu.memory_space<vmem>>
      tpu.wait_dma2 semaphore(%run_scoped3A : memref<!tpu.dma_semaphore, #tpu.memory_space<semaphore_mem>>) src(%dma_wait3A_130 : memref<8x128xf32, #tpu.memory_space<vmem>>) dst(%dma_wait3A_127 : memref<8x128xf32, #tpu.memory_space<vmem_shared>>)
      tpu.yield
    }) : () -> ()
    %barrier3A = arith.constant 0 : index
    tpu.barrier barrier_id(%barrier3A)
    %dma_start3A = arith.constant 0 : i32
    %dma_start3A_18 = arith.constant 0 : i32
    %dma_start3A_19 = arith.constant 0 : i32
    %dma_start3A_20 = arith.constant 0 : i32
    %dma_start3A_21 = tpu.memref_slice %arg5[%dma_start3A_18, %dma_start3A_19, %dma_start3A_20] : memref<2x2x48xi32, #tpu.memory_space<vmem>> -> memref<1x2x48xi32, #tpu.memory_space<vmem>>
    %dma_start3A_22 = tpu.memref_squeeze %dma_start3A_21 : memref<1x2x48xi32, #tpu.memory_space<vmem>> -> memref<2x48xi32, #tpu.memory_space<vmem>>
    %dma_start3A_23 = arith.constant 0 : i32
    %dma_start3A_24 = arith.constant 0 : i32
    %dma_start3A_25 = tpu.memref_slice %arg3[%add3A, %dma_start3A, %dma_start3A_23, %dma_start3A_24] : memref<32x212x2x48xi32, #tpu.memory_space<hbm>> -> memref<1x1x2x48xi32, #tpu.memory_space<hbm>>
    %dma_start3A_26 = tpu.memref_squeeze %dma_start3A_25 : memref<1x1x2x48xi32, #tpu.memory_space<hbm>> -> memref<2x48xi32, #tpu.memory_space<hbm>>
    %dma_start3A_27 = arith.constant 0 : i32
    %dma_start3A_28 = arith.constant 0 : i32
    %dma_start3A_29 = tpu.memref_slice %arg5[%dma_start3A_18, %dma_start3A_27, %dma_start3A_28] : memref<2x2x48xi32, #tpu.memory_space<vmem>> -> memref<1x2x48xi32, #tpu.memory_space<vmem>>
    %dma_start3A_30 = tpu.memref_squeeze %dma_start3A_29 : memref<1x2x48xi32, #tpu.memory_space<vmem>> -> memref<2x48xi32, #tpu.memory_space<vmem>>
    %dma_start3A_31 = arith.constant 0 : i32
    %dma_start3A_32 = arith.constant 0 : i32
    %dma_start3A_33 = tpu.memref_slice %arg3[%add3A, %dma_start3A, %dma_start3A_31, %dma_start3A_32] : memref<32x212x2x48xi32, #tpu.memory_space<hbm>> -> memref<1x1x2x48xi32, #tpu.memory_space<hbm>>
    %dma_start3A_34 = tpu.memref_squeeze %dma_start3A_33 : memref<1x1x2x48xi32, #tpu.memory_space<hbm>> -> memref<2x48xi32, #tpu.memory_space<hbm>>
    tpu.enqueue_dma source(%dma_start3A_34 : memref<2x48xi32, #tpu.memory_space<hbm>>) target(%dma_start3A_30 : memref<2x48xi32, #tpu.memory_space<vmem>>) target_semaphore(%arg9 : memref<!tpu.dma_semaphore, #tpu.memory_space<semaphore_mem>>)
    %dma_start3A_35 = arith.constant 1 : i32
    %dma_start3A_36 = arith.constant 1 : i32
    %dma_start3A_37 = arith.constant 0 : i32
    %dma_start3A_38 = arith.constant 0 : i32
    %dma_start3A_39 = tpu.memref_slice %arg5[%dma_start3A_36, %dma_start3A_37, %dma_start3A_38] : memref<2x2x48xi32, #tpu.memory_space<vmem>> -> memref<1x2x48xi32, #tpu.memory_space<vmem>>
    %dma_start3A_40 = tpu.memref_squeeze %dma_start3A_39 : memref<1x2x48xi32, #tpu.memory_space<vmem>> -> memref<2x48xi32, #tpu.memory_space<vmem>>
    %dma_start3A_41 = arith.constant 0 : i32
    %dma_start3A_42 = arith.constant 0 : i32
    %dma_start3A_43 = tpu.memref_slice %arg3[%add3A, %dma_start3A_35, %dma_start3A_41, %dma_start3A_42] : memref<32x212x2x48xi32, #tpu.memory_space<hbm>> -> memref<1x1x2x48xi32, #tpu.memory_space<hbm>>
    %dma_start3A_44 = tpu.memref_squeeze %dma_start3A_43 : memref<1x1x2x48xi32, #tpu.memory_space<hbm>> -> memref<2x48xi32, #tpu.memory_space<hbm>>
    %dma_start3A_45 = arith.constant 0 : i32
    %dma_start3A_46 = arith.constant 0 : i32
    %dma_start3A_47 = tpu.memref_slice %arg5[%dma_start3A_36, %dma_start3A_45, %dma_start3A_46] : memref<2x2x48xi32, #tpu.memory_space<vmem>> -> memref<1x2x48xi32, #tpu.memory_space<vmem>>
    %dma_start3A_48 = tpu.memref_squeeze %dma_start3A_47 : memref<1x2x48xi32, #tpu.memory_space<vmem>> -> memref<2x48xi32, #tpu.memory_space<vmem>>
    %dma_start3A_49 = arith.constant 0 : i32
    %dma_start3A_50 = arith.constant 0 : i32
    %dma_start3A_51 = tpu.memref_slice %arg3[%add3A, %dma_start3A_35, %dma_start3A_49, %dma_start3A_50] : memref<32x212x2x48xi32, #tpu.memory_space<hbm>> -> memref<1x1x2x48xi32, #tpu.memory_space<hbm>>
    %dma_start3A_52 = tpu.memref_squeeze %dma_start3A_51 : memref<1x1x2x48xi32, #tpu.memory_space<hbm>> -> memref<2x48xi32, #tpu.memory_space<hbm>>
    tpu.enqueue_dma source(%dma_start3A_52 : memref<2x48xi32, #tpu.memory_space<hbm>>) target(%dma_start3A_48 : memref<2x48xi32, #tpu.memory_space<vmem>>) target_semaphore(%arg10 : memref<!tpu.dma_semaphore, #tpu.memory_space<semaphore_mem>>)
    %dma_wait3A = arith.constant 0 : i32
    %dma_wait3A_53 = arith.constant 0 : i32
    %dma_wait3A_54 = arith.constant 0 : i32
    %dma_wait3A_55 = arith.constant 0 : i32
    %dma_wait3A_56 = tpu.memref_slice %arg5[%dma_wait3A_53, %dma_wait3A_54, %dma_wait3A_55] : memref<2x2x48xi32, #tpu.memory_space<vmem>> -> memref<1x2x48xi32, #tpu.memory_space<vmem>>
    %dma_wait3A_57 = tpu.memref_squeeze %dma_wait3A_56 : memref<1x2x48xi32, #tpu.memory_space<vmem>> -> memref<2x48xi32, #tpu.memory_space<vmem>>
    %dma_wait3A_58 = arith.constant 0 : i32
    %dma_wait3A_59 = arith.constant 0 : i32
    %dma_wait3A_60 = tpu.memref_slice %arg3[%add3A, %dma_wait3A, %dma_wait3A_58, %dma_wait3A_59] : memref<32x212x2x48xi32, #tpu.memory_space<hbm>> -> memref<1x1x2x48xi32, #tpu.memory_space<hbm>>
    %dma_wait3A_61 = tpu.memref_squeeze %dma_wait3A_60 : memref<1x1x2x48xi32, #tpu.memory_space<hbm>> -> memref<2x48xi32, #tpu.memory_space<hbm>>
    %dma_wait3A_62 = arith.constant 0 : i32
    %dma_wait3A_63 = arith.constant 0 : i32
    %dma_wait3A_64 = tpu.memref_slice %arg5[%dma_wait3A_53, %dma_wait3A_62, %dma_wait3A_63] : memref<2x2x48xi32, #tpu.memory_space<vmem>> -> memref<1x2x48xi32, #tpu.memory_space<vmem>>
    %dma_wait3A_65 = tpu.memref_squeeze %dma_wait3A_64 : memref<1x2x48xi32, #tpu.memory_space<vmem>> -> memref<2x48xi32, #tpu.memory_space<vmem>>
    %dma_wait3A_66 = arith.constant 0 : i32
    %dma_wait3A_67 = arith.constant 0 : i32
    %dma_wait3A_68 = tpu.memref_slice %arg3[%add3A, %dma_wait3A, %dma_wait3A_66, %dma_wait3A_67] : memref<32x212x2x48xi32, #tpu.memory_space<hbm>> -> memref<1x1x2x48xi32, #tpu.memory_space<hbm>>
    %dma_wait3A_69 = tpu.memref_squeeze %dma_wait3A_68 : memref<1x1x2x48xi32, #tpu.memory_space<hbm>> -> memref<2x48xi32, #tpu.memory_space<hbm>>
    tpu.wait_dma2 semaphore(%arg9 : memref<!tpu.dma_semaphore, #tpu.memory_space<semaphore_mem>>) src(%dma_wait3A_69 : memref<2x48xi32, #tpu.memory_space<hbm>>) dst(%dma_wait3A_65 : memref<2x48xi32, #tpu.memory_space<vmem>>)
    %dma_start3A_70 = arith.constant 0 : i32
    %dma_start3A_71 = arith.constant 0 : i32
    %dma_start3A_72 = arith.constant 0 : i32
    %dma_start3A_73 = tpu.memref_slice %arg5[%dma_start3A_70, %dma_start3A_71, %dma_start3A_72] : memref<2x2x48xi32, #tpu.memory_space<vmem>> -> memref<1x1x48xi32, #tpu.memory_space<vmem>>
    %dma_start3A_74 = tpu.memref_squeeze %dma_start3A_73 : memref<1x1x48xi32, #tpu.memory_space<vmem>> -> memref<48xi32, #tpu.memory_space<vmem>>
    %dma_start3A_75 = arith.constant 0 : i32
    %dma_start3A_76 = arith.constant 0 : i32
    %dma_start3A_77 = tpu.memref_slice %arg2[%dma_start3A_75, %dma_start3A_76] : memref<10000x128xf32, #tpu.memory_space<hbm>> -> memref<10000x128xf32, #tpu.memory_space<hbm>>
    tpu.enqueue_indirect_dma source(%dma_start3A_77 : memref<10000x128xf32, #tpu.memory_space<hbm>>) target(%arg6 : memref<48x128xf32, #tpu.memory_space<vmem>>) offsets(%dma_start3A_74 : memref<48xi32, #tpu.memory_space<vmem>>) semaphore(%arg11 : memref<!tpu.dma_semaphore, #tpu.memory_space<semaphore_mem>>)
    %scan3A_78 = arith.constant 0 : i32
    %scan3A_79 = arith.constant 0 : i32
    %scan3A_80 = arith.constant 105 : i32
    %scan3A_81 = arith.addi %scan3A_79, %scan3A_80 : i32
    %scan3A_82 = arith.constant 1 : i32
    scf.for %scan3A_111 = %scan3A_79 to %scan3A_81 step %scan3A_82  : i32 {
      %mul3A_112 = arith.constant 2 : i32
      %mul3A_113 = arith.muli %scan3A_111, %mul3A_112 : i32
      %add3A_114 = arith.constant 1 : i32
      %add3A_115 = arith.addi %mul3A_113, %add3A_114 : i32
      %dma_wait3A_116 = arith.constant 1 : i32
      %dma_wait3A_117 = arith.constant 0 : i32
      %dma_wait3A_118 = arith.constant 0 : i32
      %dma_wait3A_119 = tpu.memref_slice %arg5[%dma_wait3A_116, %dma_wait3A_117, %dma_wait3A_118] : memref<2x2x48xi32, #tpu.memory_space<vmem>> -> memref<1x2x48xi32, #tpu.memory_space<vmem>>
      %dma_wait3A_120 = tpu.memref_squeeze %dma_wait3A_119 : memref<1x2x48xi32, #tpu.memory_space<vmem>> -> memref<2x48xi32, #tpu.memory_space<vmem>>
      %dma_wait3A_121 = arith.constant 0 : i32
      %dma_wait3A_122 = arith.constant 0 : i32
      %dma_wait3A_123 = tpu.memref_slice %arg3[%add3A, %add3A_115, %dma_wait3A_121, %dma_wait3A_122] : memref<32x212x2x48xi32, #tpu.memory_space<hbm>> -> memref<1x1x2x48xi32, #tpu.memory_space<hbm>>
      %dma_wait3A_124 = tpu.memref_squeeze %dma_wait3A_123 : memref<1x1x2x48xi32, #tpu.memory_space<hbm>> -> memref<2x48xi32, #tpu.memory_space<hbm>>
      %dma_wait3A_125 = arith.constant 0 : i32
      %dma_wait3A_126 = arith.constant 0 : i32
      %dma_wait3A_127 = tpu.memref_slice %arg5[%dma_wait3A_116, %dma_wait3A_125, %dma_wait3A_126] : memref<2x2x48xi32, #tpu.memory_space<vmem>> -> memref<1x2x48xi32, #tpu.memory_space<vmem>>
      %dma_wait3A_128 = tpu.memref_squeeze %dma_wait3A_127 : memref<1x2x48xi32, #tpu.memory_space<vmem>> -> memref<2x48xi32, #tpu.memory_space<vmem>>
      %dma_wait3A_129 = arith.constant 0 : i32
      %dma_wait3A_130 = arith.constant 0 : i32
      %dma_wait3A_131 = tpu.memref_slice %arg3[%add3A, %add3A_115, %dma_wait3A_129, %dma_wait3A_130] : memref<32x212x2x48xi32, #tpu.memory_space<hbm>> -> memref<1x1x2x48xi32, #tpu.memory_space<hbm>>
      %dma_wait3A_132 = tpu.memref_squeeze %dma_wait3A_131 : memref<1x1x2x48xi32, #tpu.memory_space<hbm>> -> memref<2x48xi32, #tpu.memory_space<hbm>>
      tpu.wait_dma2 semaphore(%arg10 : memref<!tpu.dma_semaphore, #tpu.memory_space<semaphore_mem>>) src(%dma_wait3A_132 : memref<2x48xi32, #tpu.memory_space<hbm>>) dst(%dma_wait3A_128 : memref<2x48xi32, #tpu.memory_space<vmem>>)
      %dma_wait3A_133 = arith.constant 0 : i32
      %dma_wait3A_134 = arith.constant 0 : i32
      %dma_wait3A_135 = arith.constant 0 : i32
      %dma_wait3A_136 = tpu.memref_slice %arg5[%dma_wait3A_133, %dma_wait3A_134, %dma_wait3A_135] : memref<2x2x48xi32, #tpu.memory_space<vmem>> -> memref<1x1x48xi32, #tpu.memory_space<vmem>>
      %dma_wait3A_137 = tpu.memref_squeeze %dma_wait3A_136 : memref<1x1x48xi32, #tpu.memory_space<vmem>> -> memref<48xi32, #tpu.memory_space<vmem>>
      %dma_wait3A_138 = arith.constant 0 : i32
      %dma_wait3A_139 = arith.constant 0 : i32
      %dma_wait3A_140 = tpu.memref_slice %arg2[%dma_wait3A_138, %dma_wait3A_139] : memref<10000x128xf32, #tpu.memory_space<hbm>> -> memref<10000x128xf32, #tpu.memory_space<hbm>>
      tpu.wait_indirect_dma semaphore(%arg11 : memref<!tpu.dma_semaphore, #tpu.memory_space<semaphore_mem>>) src(%dma_wait3A_140 : memref<10000x128xf32, #tpu.memory_space<hbm>>) dst(%arg6 : memref<48x128xf32, #tpu.memory_space<vmem>>)
      %dma_start3A_141 = arith.constant 1 : i32
      %dma_start3A_142 = arith.constant 0 : i32
      %dma_start3A_143 = arith.constant 0 : i32
      %dma_start3A_144 = tpu.memref_slice %arg5[%dma_start3A_141, %dma_start3A_142, %dma_start3A_143] : memref<2x2x48xi32, #tpu.memory_space<vmem>> -> memref<1x1x48xi32, #tpu.memory_space<vmem>>
      %dma_start3A_145 = tpu.memref_squeeze %dma_start3A_144 : memref<1x1x48xi32, #tpu.memory_space<vmem>> -> memref<48xi32, #tpu.memory_space<vmem>>
      %dma_start3A_146 = arith.constant 0 : i32
      %dma_start3A_147 = arith.constant 0 : i32
      %dma_start3A_148 = tpu.memref_slice %arg2[%dma_start3A_146, %dma_start3A_147] : memref<10000x128xf32, #tpu.memory_space<hbm>> -> memref<10000x128xf32, #tpu.memory_space<hbm>>
      tpu.enqueue_indirect_dma source(%dma_start3A_148 : memref<10000x128xf32, #tpu.memory_space<hbm>>) target(%arg7 : memref<48x128xf32, #tpu.memory_space<vmem>>) offsets(%dma_start3A_145 : memref<48xi32, #tpu.memory_space<vmem>>) semaphore(%arg12 : memref<!tpu.dma_semaphore, #tpu.memory_space<semaphore_mem>>)
      %run_scoped3A = arith.constant 0 : i32
      %run_scoped3A_149 = arith.constant 1 : i32
      "tpu.region"() ({
        %run_scoped3A_225 = tpu.sem_alloc : memref<!tpu.dma_semaphore, #tpu.memory_space<semaphore_mem>>
        %dma_start3A_226 = arith.constant 0 : i32
        %dma_start3A_227 = tpu.memref_slice %arg5[%run_scoped3A, %run_scoped3A_149, %dma_start3A_226] : memref<2x2x48xi32, #tpu.memory_space<vmem>> -> memref<1x1x48xi32, #tpu.memory_space<vmem>>
        %dma_start3A_228 = tpu.memref_squeeze %dma_start3A_227 : memref<1x1x48xi32, #tpu.memory_space<vmem>> -> memref<48xi32, #tpu.memory_space<vmem>>
        %dma_start3A_229 = arith.constant 0 : i32
        %dma_start3A_230 = arith.constant 0 : i32
        %dma_start3A_231 = tpu.memref_slice %arg8[%dma_start3A_229, %dma_start3A_230] : memref<10112x128xf32, #tpu.memory_space<vmem_shared>> -> memref<10112x128xf32, #tpu.memory_space<vmem_shared>>
        tpu.enqueue_indirect_dma source(%arg6 : memref<48x128xf32, #tpu.memory_space<vmem>>) target(%dma_start3A_231 : memref<10112x128xf32, #tpu.memory_space<vmem_shared>>) offsets(%dma_start3A_228 : memref<48xi32, #tpu.memory_space<vmem>>) semaphore(%run_scoped3A_225 : memref<!tpu.dma_semaphore, #tpu.memory_space<semaphore_mem>>) {add = true}
        %dma_wait3A_232 = arith.constant 0 : i32
        %dma_wait3A_233 = tpu.memref_slice %arg5[%run_scoped3A, %run_scoped3A_149, %dma_wait3A_232] : memref<2x2x48xi32, #tpu.memory_space<vmem>> -> memref<1x1x48xi32, #tpu.memory_space<vmem>>
        %dma_wait3A_234 = tpu.memref_squeeze %dma_wait3A_233 : memref<1x1x48xi32, #tpu.memory_space<vmem>> -> memref<48xi32, #tpu.memory_space<vmem>>
        %dma_wait3A_235 = arith.constant 0 : i32
        %dma_wait3A_236 = arith.constant 0 : i32
        %dma_wait3A_237 = tpu.memref_slice %arg8[%dma_wait3A_235, %dma_wait3A_236] : memref<10112x128xf32, #tpu.memory_space<vmem_shared>> -> memref<10112x128xf32, #tpu.memory_space<vmem_shared>>
        tpu.wait_indirect_dma semaphore(%run_scoped3A_225 : memref<!tpu.dma_semaphore, #tpu.memory_space<semaphore_mem>>) src(%arg6 : memref<48x128xf32, #tpu.memory_space<vmem>>) dst(%dma_wait3A_237 : memref<10112x128xf32, #tpu.memory_space<vmem_shared>>)
        tpu.yield
      }) : () -> ()
      %add3A_150 = arith.constant 2 : i32
      %add3A_151 = arith.addi %mul3A_113, %add3A_150 : i32
      %dma_start3A_152 = arith.constant 0 : i32
      %dma_start3A_153 = arith.constant 0 : i32
      %dma_start3A_154 = arith.constant 0 : i32
      %dma_start3A_155 = tpu.memref_slice %arg5[%dma_start3A_152, %dma_start3A_153, %dma_start3A_154] : memref<2x2x48xi32, #tpu.memory_space<vmem>> -> memref<1x2x48xi32, #tpu.memory_space<vmem>>
      %dma_start3A_156 = tpu.memref_squeeze %dma_start3A_155 : memref<1x2x48xi32, #tpu.memory_space<vmem>> -> memref<2x48xi32, #tpu.memory_space<vmem>>
      %dma_start3A_157 = arith.constant 0 : i32
      %dma_start3A_158 = arith.constant 0 : i32
      %dma_start3A_159 = tpu.memref_slice %arg3[%add3A, %add3A_151, %dma_start3A_157, %dma_start3A_158] : memref<32x212x2x48xi32, #tpu.memory_space<hbm>> -> memref<1x1x2x48xi32, #tpu.memory_space<hbm>>
      %dma_start3A_160 = tpu.memref_squeeze %dma_start3A_159 : memref<1x1x2x48xi32, #tpu.memory_space<hbm>> -> memref<2x48xi32, #tpu.memory_space<hbm>>
      %dma_start3A_161 = arith.constant 0 : i32
      %dma_start3A_162 = arith.constant 0 : i32
      %dma_start3A_163 = tpu.memref_slice %arg5[%dma_start3A_152, %dma_start3A_161, %dma_start3A_162] : memref<2x2x48xi32, #tpu.memory_space<vmem>> -> memref<1x2x48xi32, #tpu.memory_space<vmem>>
      %dma_start3A_164 = tpu.memref_squeeze %dma_start3A_163 : memref<1x2x48xi32, #tpu.memory_space<vmem>> -> memref<2x48xi32, #tpu.memory_space<vmem>>
      %dma_start3A_165 = arith.constant 0 : i32
      %dma_start3A_166 = arith.constant 0 : i32
      %dma_start3A_167 = tpu.memref_slice %arg3[%add3A, %add3A_151, %dma_start3A_165, %dma_start3A_166] : memref<32x212x2x48xi32, #tpu.memory_space<hbm>> -> memref<1x1x2x48xi32, #tpu.memory_space<hbm>>
      %dma_start3A_168 = tpu.memref_squeeze %dma_start3A_167 : memref<1x1x2x48xi32, #tpu.memory_space<hbm>> -> memref<2x48xi32, #tpu.memory_space<hbm>>
      tpu.enqueue_dma source(%dma_start3A_168 : memref<2x48xi32, #tpu.memory_space<hbm>>) target(%dma_start3A_164 : memref<2x48xi32, #tpu.memory_space<vmem>>) target_semaphore(%arg9 : memref<!tpu.dma_semaphore, #tpu.memory_space<semaphore_mem>>)
      %dma_wait3A_169 = arith.constant 1 : i32
      %dma_wait3A_170 = arith.constant 0 : i32
      %dma_wait3A_171 = arith.constant 0 : i32
      %dma_wait3A_172 = tpu.memref_slice %arg5[%dma_wait3A_169, %dma_wait3A_170, %dma_wait3A_171] : memref<2x2x48xi32, #tpu.memory_space<vmem>> -> memref<1x1x48xi32, #tpu.memory_space<vmem>>
      %dma_wait3A_173 = tpu.memref_squeeze %dma_wait3A_172 : memref<1x1x48xi32, #tpu.memory_space<vmem>> -> memref<48xi32, #tpu.memory_space<vmem>>
      %dma_wait3A_174 = arith.constant 0 : i32
      %dma_wait3A_175 = arith.constant 0 : i32
      %dma_wait3A_176 = tpu.memref_slice %arg2[%dma_wait3A_174, %dma_wait3A_175] : memref<10000x128xf32, #tpu.memory_space<hbm>> -> memref<10000x128xf32, #tpu.memory_space<hbm>>
      tpu.wait_indirect_dma semaphore(%arg12 : memref<!tpu.dma_semaphore, #tpu.memory_space<semaphore_mem>>) src(%dma_wait3A_176 : memref<10000x128xf32, #tpu.memory_space<hbm>>) dst(%arg7 : memref<48x128xf32, #tpu.memory_space<vmem>>)
      %add3A_177 = arith.constant 2 : i32
      %add3A_178 = arith.addi %mul3A_113, %add3A_177 : i32
      %dma_wait3A_179 = arith.constant 0 : i32
      %dma_wait3A_180 = arith.constant 0 : i32
      %dma_wait3A_181 = arith.constant 0 : i32
      %dma_wait3A_182 = tpu.memref_slice %arg5[%dma_wait3A_179, %dma_wait3A_180, %dma_wait3A_181] : memref<2x2x48xi32, #tpu.memory_space<vmem>> -> memref<1x2x48xi32, #tpu.memory_space<vmem>>
      %dma_wait3A_183 = tpu.memref_squeeze %dma_wait3A_182 : memref<1x2x48xi32, #tpu.memory_space<vmem>> -> memref<2x48xi32, #tpu.memory_space<vmem>>
      %dma_wait3A_184 = arith.constant 0 : i32
      %dma_wait3A_185 = arith.constant 0 : i32
      %dma_wait3A_186 = tpu.memref_slice %arg3[%add3A, %add3A_178, %dma_wait3A_184, %dma_wait3A_185] : memref<32x212x2x48xi32, #tpu.memory_space<hbm>> -> memref<1x1x2x48xi32, #tpu.memory_space<hbm>>
      %dma_wait3A_187 = tpu.memref_squeeze %dma_wait3A_186 : memref<1x1x2x48xi32, #tpu.memory_space<hbm>> -> memref<2x48xi32, #tpu.memory_space<hbm>>
      %dma_wait3A_188 = arith.constant 0 : i32
      %dma_wait3A_189 = arith.constant 0 : i32
      %dma_wait3A_190 = tpu.memref_slice %arg5[%dma_wait3A_179, %dma_wait3A_188, %dma_wait3A_189] : memref<2x2x48xi32, #tpu.memory_space<vmem>> -> memref<1x2x48xi32, #tpu.memory_space<vmem>>
      %dma_wait3A_191 = tpu.memref_squeeze %dma_wait3A_190 : memref<1x2x48xi32, #tpu.memory_space<vmem>> -> memref<2x48xi32, #tpu.memory_space<vmem>>
      %dma_wait3A_192 = arith.constant 0 : i32
      %dma_wait3A_193 = arith.constant 0 : i32
      %dma_wait3A_194 = tpu.memref_slice %arg3[%add3A, %add3A_178, %dma_wait3A_192, %dma_wait3A_193] : memref<32x212x2x48xi32, #tpu.memory_space<hbm>> -> memref<1x1x2x48xi32, #tpu.memory_space<hbm>>
      %dma_wait3A_195 = tpu.memref_squeeze %dma_wait3A_194 : memref<1x1x2x48xi32, #tpu.memory_space<hbm>> -> memref<2x48xi32, #tpu.memory_space<hbm>>
      tpu.wait_dma2 semaphore(%arg9 : memref<!tpu.dma_semaphore, #tpu.memory_space<semaphore_mem>>) src(%dma_wait3A_195 : memref<2x48xi32, #tpu.memory_space<hbm>>) dst(%dma_wait3A_191 : memref<2x48xi32, #tpu.memory_space<vmem>>)
      %dma_start3A_196 = arith.constant 0 : i32
      %dma_start3A_197 = arith.constant 0 : i32
      %dma_start3A_198 = arith.constant 0 : i32
      %dma_start3A_199 = tpu.memref_slice %arg5[%dma_start3A_196, %dma_start3A_197, %dma_start3A_198] : memref<2x2x48xi32, #tpu.memory_space<vmem>> -> memref<1x1x48xi32, #tpu.memory_space<vmem>>
      %dma_start3A_200 = tpu.memref_squeeze %dma_start3A_199 : memref<1x1x48xi32, #tpu.memory_space<vmem>> -> memref<48xi32, #tpu.memory_space<vmem>>
      %dma_start3A_201 = arith.constant 0 : i32
      %dma_start3A_202 = arith.constant 0 : i32
      %dma_start3A_203 = tpu.memref_slice %arg2[%dma_start3A_201, %dma_start3A_202] : memref<10000x128xf32, #tpu.memory_space<hbm>> -> memref<10000x128xf32, #tpu.memory_space<hbm>>
      tpu.enqueue_indirect_dma source(%dma_start3A_203 : memref<10000x128xf32, #tpu.memory_space<hbm>>) target(%arg6 : memref<48x128xf32, #tpu.memory_space<vmem>>) offsets(%dma_start3A_200 : memref<48xi32, #tpu.memory_space<vmem>>) semaphore(%arg11 : memref<!tpu.dma_semaphore, #tpu.memory_space<semaphore_mem>>)
      %run_scoped3A_204 = arith.constant 1 : i32
      %run_scoped3A_205 = arith.constant 1 : i32
      "tpu.region"() ({
        %run_scoped3A_225 = tpu.sem_alloc : memref<!tpu.dma_semaphore, #tpu.memory_space<semaphore_mem>>
        %dma_start3A_226 = arith.constant 0 : i32
        %dma_start3A_227 = tpu.memref_slice %arg5[%run_scoped3A_204, %run_scoped3A_205, %dma_start3A_226] : memref<2x2x48xi32, #tpu.memory_space<vmem>> -> memref<1x1x48xi32, #tpu.memory_space<vmem>>
        %dma_start3A_228 = tpu.memref_squeeze %dma_start3A_227 : memref<1x1x48xi32, #tpu.memory_space<vmem>> -> memref<48xi32, #tpu.memory_space<vmem>>
        %dma_start3A_229 = arith.constant 0 : i32
        %dma_start3A_230 = arith.constant 0 : i32
        %dma_start3A_231 = tpu.memref_slice %arg8[%dma_start3A_229, %dma_start3A_230] : memref<10112x128xf32, #tpu.memory_space<vmem_shared>> -> memref<10112x128xf32, #tpu.memory_space<vmem_shared>>
        tpu.enqueue_indirect_dma source(%arg7 : memref<48x128xf32, #tpu.memory_space<vmem>>) target(%dma_start3A_231 : memref<10112x128xf32, #tpu.memory_space<vmem_shared>>) offsets(%dma_start3A_228 : memref<48xi32, #tpu.memory_space<vmem>>) semaphore(%run_scoped3A_225 : memref<!tpu.dma_semaphore, #tpu.memory_space<semaphore_mem>>) {add = true}
        %dma_wait3A_232 = arith.constant 0 : i32
        %dma_wait3A_233 = tpu.memref_slice %arg5[%run_scoped3A_204, %run_scoped3A_205, %dma_wait3A_232] : memref<2x2x48xi32, #tpu.memory_space<vmem>> -> memref<1x1x48xi32, #tpu.memory_space<vmem>>
        %dma_wait3A_234 = tpu.memref_squeeze %dma_wait3A_233 : memref<1x1x48xi32, #tpu.memory_space<vmem>> -> memref<48xi32, #tpu.memory_space<vmem>>
        %dma_wait3A_235 = arith.constant 0 : i32
        %dma_wait3A_236 = arith.constant 0 : i32
        %dma_wait3A_237 = tpu.memref_slice %arg8[%dma_wait3A_235, %dma_wait3A_236] : memref<10112x128xf32, #tpu.memory_space<vmem_shared>> -> memref<10112x128xf32, #tpu.memory_space<vmem_shared>>
        tpu.wait_indirect_dma semaphore(%run_scoped3A_225 : memref<!tpu.dma_semaphore, #tpu.memory_space<semaphore_mem>>) src(%arg7 : memref<48x128xf32, #tpu.memory_space<vmem>>) dst(%dma_wait3A_237 : memref<10112x128xf32, #tpu.memory_space<vmem_shared>>)
        tpu.yield
      }) : () -> ()
      %add3A_206 = arith.constant 3 : i32
      %add3A_207 = arith.addi %mul3A_113, %add3A_206 : i32
      %dma_start3A_208 = arith.constant 1 : i32
      %dma_start3A_209 = arith.constant 0 : i32
      %dma_start3A_210 = arith.constant 0 : i32
      %dma_start3A_211 = tpu.memref_slice %arg5[%dma_start3A_208, %dma_start3A_209, %dma_start3A_210] : memref<2x2x48xi32, #tpu.memory_space<vmem>> -> memref<1x2x48xi32, #tpu.memory_space<vmem>>
      %dma_start3A_212 = tpu.memref_squeeze %dma_start3A_211 : memref<1x2x48xi32, #tpu.memory_space<vmem>> -> memref<2x48xi32, #tpu.memory_space<vmem>>
      %dma_start3A_213 = arith.constant 0 : i32
      %dma_start3A_214 = arith.constant 0 : i32
      %dma_start3A_215 = tpu.memref_slice %arg3[%add3A, %add3A_207, %dma_start3A_213, %dma_start3A_214] : memref<32x212x2x48xi32, #tpu.memory_space<hbm>> -> memref<1x1x2x48xi32, #tpu.memory_space<hbm>>
      %dma_start3A_216 = tpu.memref_squeeze %dma_start3A_215 : memref<1x1x2x48xi32, #tpu.memory_space<hbm>> -> memref<2x48xi32, #tpu.memory_space<hbm>>
      %dma_start3A_217 = arith.constant 0 : i32
      %dma_start3A_218 = arith.constant 0 : i32
      %dma_start3A_219 = tpu.memref_slice %arg5[%dma_start3A_208, %dma_start3A_217, %dma_start3A_218] : memref<2x2x48xi32, #tpu.memory_space<vmem>> -> memref<1x2x48xi32, #tpu.memory_space<vmem>>
      %dma_start3A_220 = tpu.memref_squeeze %dma_start3A_219 : memref<1x2x48xi32, #tpu.memory_space<vmem>> -> memref<2x48xi32, #tpu.memory_space<vmem>>
      %dma_start3A_221 = arith.constant 0 : i32
      %dma_start3A_222 = arith.constant 0 : i32
      %dma_start3A_223 = tpu.memref_slice %arg3[%add3A, %add3A_207, %dma_start3A_221, %dma_start3A_222] : memref<32x212x2x48xi32, #tpu.memory_space<hbm>> -> memref<1x1x2x48xi32, #tpu.memory_space<hbm>>
      %dma_start3A_224 = tpu.memref_squeeze %dma_start3A_223 : memref<1x1x2x48xi32, #tpu.memory_space<hbm>> -> memref<2x48xi32, #tpu.memory_space<hbm>>
      tpu.enqueue_dma source(%dma_start3A_224 : memref<2x48xi32, #tpu.memory_space<hbm>>) target(%dma_start3A_220 : memref<2x48xi32, #tpu.memory_space<vmem>>) target_semaphore(%arg10 : memref<!tpu.dma_semaphore, #tpu.memory_space<semaphore_mem>>)
    }
    %scan3A_83 = arith.constant 105 : i32
    %dma_wait3A_84 = arith.constant 0 : i32
    %dma_wait3A_85 = arith.constant 0 : i32
    %dma_wait3A_86 = arith.constant 0 : i32
    %dma_wait3A_87 = tpu.memref_slice %arg5[%dma_wait3A_84, %dma_wait3A_85, %dma_wait3A_86] : memref<2x2x48xi32, #tpu.memory_space<vmem>> -> memref<1x1x48xi32, #tpu.memory_space<vmem>>
    %dma_wait3A_88 = tpu.memref_squeeze %dma_wait3A_87 : memref<1x1x48xi32, #tpu.memory_space<vmem>> -> memref<48xi32, #tpu.memory_space<vmem>>
    %dma_wait3A_89 = arith.constant 0 : i32
    %dma_wait3A_90 = arith.constant 0 : i32
    %dma_wait3A_91 = tpu.memref_slice %arg2[%dma_wait3A_89, %dma_wait3A_90] : memref<10000x128xf32, #tpu.memory_space<hbm>> -> memref<10000x128xf32, #tpu.memory_space<hbm>>
    tpu.wait_indirect_dma semaphore(%arg11 : memref<!tpu.dma_semaphore, #tpu.memory_space<semaphore_mem>>) src(%dma_wait3A_91 : memref<10000x128xf32, #tpu.memory_space<hbm>>) dst(%arg6 : memref<48x128xf32, #tpu.memory_space<vmem>>)
    %dma_wait3A_92 = arith.constant 211 : i32
    %dma_wait3A_93 = arith.constant 1 : i32
    %dma_wait3A_94 = arith.constant 0 : i32
    %dma_wait3A_95 = arith.constant 0 : i32
    %dma_wait3A_96 = tpu.memref_slice %arg5[%dma_wait3A_93, %dma_wait3A_94, %dma_wait3A_95] : memref<2x2x48xi32, #tpu.memory_space<vmem>> -> memref<1x2x48xi32, #tpu.memory_space<vmem>>
    %dma_wait3A_97 = tpu.memref_squeeze %dma_wait3A_96 : memref<1x2x48xi32, #tpu.memory_space<vmem>> -> memref<2x48xi32, #tpu.memory_space<vmem>>
    %dma_wait3A_98 = arith.constant 0 : i32
    %dma_wait3A_99 = arith.constant 0 : i32
    %dma_wait3A_100 = tpu.memref_slice %arg3[%add3A, %dma_wait3A_92, %dma_wait3A_98, %dma_wait3A_99] : memref<32x212x2x48xi32, #tpu.memory_space<hbm>> -> memref<1x1x2x48xi32, #tpu.memory_space<hbm>>
    %dma_wait3A_101 = tpu.memref_squeeze %dma_wait3A_100 : memref<1x1x2x48xi32, #tpu.memory_space<hbm>> -> memref<2x48xi32, #tpu.memory_space<hbm>>
    %dma_wait3A_102 = arith.constant 0 : i32
    %dma_wait3A_103 = arith.constant 0 : i32
    %dma_wait3A_104 = tpu.memref_slice %arg5[%dma_wait3A_93, %dma_wait3A_102, %dma_wait3A_103] : memref<2x2x48xi32, #tpu.memory_space<vmem>> -> memref<1x2x48xi32, #tpu.memory_space<vmem>>
    %dma_wait3A_105 = tpu.memref_squeeze %dma_wait3A_104 : memref<1x2x48xi32, #tpu.memory_space<vmem>> -> memref<2x48xi32, #tpu.memory_space<vmem>>
    %dma_wait3A_106 = arith.constant 0 : i32
    %dma_wait3A_107 = arith.constant 0 : i32
    %dma_wait3A_108 = tpu.memref_slice %arg3[%add3A, %dma_wait3A_92, %dma_wait3A_106, %dma_wait3A_107] : memref<32x212x2x48xi32, #tpu.memory_space<hbm>> -> memref<1x1x2x48xi32, #tpu.memory_space<hbm>>
    %dma_wait3A_109 = tpu.memref_squeeze %dma_wait3A_108 : memref<1x1x2x48xi32, #tpu.memory_space<hbm>> -> memref<2x48xi32, #tpu.memory_space<hbm>>
    tpu.wait_dma2 semaphore(%arg10 : memref<!tpu.dma_semaphore, #tpu.memory_space<semaphore_mem>>) src(%dma_wait3A_109 : memref<2x48xi32, #tpu.memory_space<hbm>>) dst(%dma_wait3A_105 : memref<2x48xi32, #tpu.memory_space<vmem>>)
    %barrier3A_110 = arith.constant 0 : index
    tpu.barrier barrier_id(%barrier3A_110)
    "tpu.region"() ({
      %run_scoped3A = tpu.sem_alloc : memref<!tpu.dma_semaphore, #tpu.memory_space<semaphore_mem>>
      %dma_start3A_111 = arith.constant 0 : i32
      %dma_start3A_112 = tpu.memref_slice %arg4[%arg0, %mul3A_8, %dma_start3A_111] : memref<2x10112x128xf32, #tpu.memory_space<hbm>> -> memref<1x632x128xf32, #tpu.memory_space<hbm>>
      %dma_start3A_113 = tpu.memref_squeeze %dma_start3A_112 : memref<1x632x128xf32, #tpu.memory_space<hbm>> -> memref<632x128xf32, #tpu.memory_space<hbm>>
      %dma_start3A_114 = arith.constant 0 : i32
      %dma_start3A_115 = tpu.memref_slice %arg8[%mul3A_8, %dma_start3A_114] : memref<10112x128xf32, #tpu.memory_space<vmem_shared>> -> memref<632x128xf32, #tpu.memory_space<vmem_shared>>
      tpu.enqueue_dma source(%dma_start3A_115 : memref<632x128xf32, #tpu.memory_space<vmem_shared>>) target(%dma_start3A_113 : memref<632x128xf32, #tpu.memory_space<hbm>>) target_semaphore(%run_scoped3A : memref<!tpu.dma_semaphore, #tpu.memory_space<semaphore_mem>>)
      %dma_wait3A_116 = arith.constant 0 : i32
      %dma_wait3A_117 = tpu.memref_slice %arg4[%arg0, %mul3A_8, %dma_wait3A_116] : memref<2x10112x128xf32, #tpu.memory_space<hbm>> -> memref<1x632x128xf32, #tpu.memory_space<hbm>>
      %dma_wait3A_118 = tpu.memref_squeeze %dma_wait3A_117 : memref<1x632x128xf32, #tpu.memory_space<hbm>> -> memref<632x128xf32, #tpu.memory_space<hbm>>
      %dma_wait3A_119 = arith.constant 0 : i32
      %dma_wait3A_120 = tpu.memref_slice %arg8[%mul3A_8, %dma_wait3A_119] : memref<10112x128xf32, #tpu.memory_space<vmem_shared>> -> memref<632x128xf32, #tpu.memory_space<vmem_shared>>
      tpu.wait_dma2 semaphore(%run_scoped3A : memref<!tpu.dma_semaphore, #tpu.memory_space<semaphore_mem>>) src(%dma_wait3A_120 : memref<632x128xf32, #tpu.memory_space<vmem_shared>>) dst(%dma_wait3A_118 : memref<632x128xf32, #tpu.memory_space<hbm>>)
      tpu.yield
    }) : () -> ()
    return
  }
}

module attributes {stable_mosaic.version = 14 : i64} {
  func.func @_tc1_body(%arg0: memref<10000x128xf32, #tpu.memory_space<vmem>>, %arg1: memref<128x128xf32, #tpu.memory_space<vmem>>, %arg2: memref<10112x32xf32, #tpu.memory_space<vmem>>, %arg3: memref<10000x128xf32, #tpu.memory_space<vmem>>, %arg4: memref<10112x1xf32, #tpu.memory_space<vmem>>) attributes {dimension_semantics = [], scalar_prefetch = 0 : i64, scratch_operands = 0 : i64, tpu.core_type = #tpu.core_type<tc>} {
    %get3A = arith.constant 0 : index
    %get3A_0 = arith.constant 0 : index
    %get3A_1 = vector.load %arg2[%get3A, %get3A_0] : memref<10112x32xf32, #tpu.memory_space<vmem>>, vector<10112x32xf32>
    %reduce_sum3A = arith.constant dense<0.000000e+00> : vector<10112xf32>
    %reduce_sum3A_2 = vector.multi_reduction <add>, %get3A_1, %reduce_sum3A [1] : vector<10112x32xf32> to vector<10112xf32>
    %broadcast_in_dim3A = vector.shape_cast %reduce_sum3A_2 : vector<10112xf32> to vector<10112x1xf32>
    %add3A = arith.constant 1.000000e+00 : f32
    %add3A_3 = vector.broadcast %add3A : f32 to vector<10112x1xf32>
    %add3A_4 = arith.addf %broadcast_in_dim3A, %add3A_3 : vector<10112x1xf32>
    %rsqrt3A = math.rsqrt %add3A_4 : vector<10112x1xf32>
    %swap3A = arith.constant 0 : index
    %swap3A_5 = arith.constant 0 : index
    %swap3A_6 = vector.load %arg4[%swap3A, %swap3A_5] : memref<10112x1xf32, #tpu.memory_space<vmem>>, vector<10112x1xf32>
    tpu.vector_store %arg4[%swap3A, %swap3A_5], %rsqrt3A {strides = array<i32>} : memref<10112x1xf32, #tpu.memory_space<vmem>>, vector<10112x1xf32>,
    %get3A_7 = arith.constant 0 : index
    %get3A_8 = arith.constant 0 : index
    %get3A_9 = vector.load %arg0[%get3A_7, %get3A_8] : memref<10000x128xf32, #tpu.memory_space<vmem>>, vector<10000x128xf32>
    %get3A_10 = arith.constant 0 : index
    %get3A_11 = arith.constant 0 : index
    %get3A_12 = vector.load %arg1[%get3A_10, %get3A_11] : memref<128x128xf32, #tpu.memory_space<vmem>>, vector<128x128xf32>
    %dot_general3A = arith.constant dense<0.000000e+00> : vector<10000x128xf32>
    %dot_general3A_13 = tpu.matmul %get3A_9, %get3A_12, %dot_general3A {dimension_numbers = #tpu.dot_dimension_numbers<[1], [0], [0], [1], [0, 0, 1, 1], [], []>, transpose_lhs_hint = false} : vector<10000x128xf32>, vector<128x128xf32>, vector<10000x128xf32> -> vector<10000x128xf32>
    %slice3A = vector.extract_strided_slice %rsqrt3A {offsets = [0, 0], sizes = [10000, 1], strides = [1, 1]} : vector<10112x1xf32> to vector<10000x1xf32>
    %mul3A = vector.broadcast %slice3A : vector<10000x1xf32> to vector<10000x128xf32>
    %mul3A_14 = arith.mulf %dot_general3A_13, %mul3A : vector<10000x128xf32>
    %swap3A_15 = arith.constant 0 : index
    %swap3A_16 = arith.constant 0 : index
    %swap3A_17 = vector.load %arg3[%swap3A_15, %swap3A_16] : memref<10000x128xf32, #tpu.memory_space<vmem>>, vector<10000x128xf32>
    tpu.vector_store %arg3[%swap3A_15, %swap3A_16], %mul3A_14 {strides = array<i32>} : memref<10000x128xf32, #tpu.memory_space<vmem>>, vector<10000x128xf32>,
    return
  }
}

module attributes {stable_mosaic.version = 14 : i64} {
  func.func @_tc2_body(%arg0: memref<2x10112x128xf32, #tpu.memory_space<vmem>>, %arg1: memref<10000x128xf32, #tpu.memory_space<vmem>>, %arg2: memref<10112x1xf32, #tpu.memory_space<vmem>>, %arg3: memref<128xf32, #tpu.memory_space<vmem>>, %arg4: memref<128x128xf32, #tpu.memory_space<vmem>>, %arg5: memref<10000x128xf32, #tpu.memory_space<vmem>>) attributes {dimension_semantics = [], scalar_prefetch = 0 : i64, scratch_operands = 0 : i64, tpu.core_type = #tpu.core_type<tc>} {
    %get3A = arith.constant 0 : index
    %get3A_0 = arith.constant 0 : index
    %get3A_1 = vector.load %arg2[%get3A, %get3A_0] : memref<10112x1xf32, #tpu.memory_space<vmem>>, vector<10112x1xf32>
    %slice3A = vector.extract_strided_slice %get3A_1 {offsets = [0, 0], sizes = [10000, 1], strides = [1, 1]} : vector<10112x1xf32> to vector<10000x1xf32>
    %get3A_2 = arith.constant 0 : index
    %get3A_3 = arith.constant 0 : index
    %get3A_4 = arith.constant 0 : index
    %get3A_5 = vector.load %arg0[%get3A_2, %get3A_3, %get3A_4] : memref<2x10112x128xf32, #tpu.memory_space<vmem>>, vector<1x10000x128xf32>
    %get3A_6 = vector.shape_cast %get3A_5 : vector<1x10000x128xf32> to vector<10000x128xf32>
    %get3A_7 = arith.constant 1 : index
    %get3A_8 = arith.constant 0 : index
    %get3A_9 = arith.constant 0 : index
    %get3A_10 = vector.load %arg0[%get3A_7, %get3A_8, %get3A_9] : memref<2x10112x128xf32, #tpu.memory_space<vmem>>, vector<1x10000x128xf32>
    %get3A_11 = vector.shape_cast %get3A_10 : vector<1x10000x128xf32> to vector<10000x128xf32>
    %add3A = arith.addf %get3A_6, %get3A_11 : vector<10000x128xf32>
    %get3A_12 = arith.constant 0 : index
    %get3A_13 = arith.constant 0 : index
    %get3A_14 = vector.load %arg1[%get3A_12, %get3A_13] : memref<10000x128xf32, #tpu.memory_space<vmem>>, vector<10000x128xf32>
    %add3A_15 = arith.addf %add3A, %get3A_14 : vector<10000x128xf32>
    %mul3A = vector.broadcast %slice3A : vector<10000x1xf32> to vector<10000x128xf32>
    %mul3A_16 = arith.mulf %add3A_15, %mul3A : vector<10000x128xf32>
    %get3A_17 = arith.constant 0 : index
    %get3A_18 = vector.load %arg3[%get3A_17] : memref<128xf32, #tpu.memory_space<vmem>>, vector<128xf32>
    %broadcast_in_dim3A = vector.shape_cast %get3A_18 : vector<128xf32> to vector<1x128xf32>
    %add3A_19 = vector.broadcast %broadcast_in_dim3A : vector<1x128xf32> to vector<10000x128xf32>
    %add3A_20 = arith.addf %mul3A_16, %add3A_19 : vector<10000x128xf32>
    %max3A = arith.constant 0.000000e+00 : f32
    %max3A_21 = vector.broadcast %max3A : f32 to vector<10000x128xf32>
    %max3A_22 = arith.maximumf %add3A_20, %max3A_21 : vector<10000x128xf32>
    %get3A_23 = arith.constant 0 : index
    %get3A_24 = arith.constant 0 : index
    %get3A_25 = vector.load %arg4[%get3A_23, %get3A_24] : memref<128x128xf32, #tpu.memory_space<vmem>>, vector<128x128xf32>
    %dot_general3A = arith.constant dense<0.000000e+00> : vector<10000x128xf32>
    %dot_general3A_26 = tpu.matmul %max3A_22, %get3A_25, %dot_general3A {dimension_numbers = #tpu.dot_dimension_numbers<[1], [0], [0], [1], [0, 0, 1, 1], [], []>, transpose_lhs_hint = false} : vector<10000x128xf32>, vector<128x128xf32>, vector<10000x128xf32> -> vector<10000x128xf32>
    %mul3A_27 = vector.broadcast %slice3A : vector<10000x1xf32> to vector<10000x128xf32>
    %mul3A_28 = arith.mulf %dot_general3A_26, %mul3A_27 : vector<10000x128xf32>
    %swap3A = arith.constant 0 : index
    %swap3A_29 = arith.constant 0 : index
    %swap3A_30 = vector.load %arg5[%swap3A, %swap3A_29] : memref<10000x128xf32, #tpu.memory_space<vmem>>, vector<10000x128xf32>
    tpu.vector_store %arg5[%swap3A, %swap3A_29], %mul3A_28 {strides = array<i32>} : memref<10000x128xf32, #tpu.memory_space<vmem>>, vector<10000x128xf32>,
    return
  }
}

module attributes {stable_mosaic.version = 14 : i64} {
  func.func @_tc3_body(%arg0: memref<2x10112x128xf32, #tpu.memory_space<vmem>>, %arg1: memref<10000x128xf32, #tpu.memory_space<vmem>>, %arg2: memref<10112x1xf32, #tpu.memory_space<vmem>>, %arg3: memref<128xf32, #tpu.memory_space<vmem>>, %arg4: memref<10000x128xf32, #tpu.memory_space<vmem>>) attributes {dimension_semantics = [], scalar_prefetch = 0 : i64, scratch_operands = 0 : i64, tpu.core_type = #tpu.core_type<tc>} {
    %get3A = arith.constant 0 : index
    %get3A_0 = arith.constant 0 : index
    %get3A_1 = vector.load %arg2[%get3A, %get3A_0] : memref<10112x1xf32, #tpu.memory_space<vmem>>, vector<10112x1xf32>
    %slice3A = vector.extract_strided_slice %get3A_1 {offsets = [0, 0], sizes = [10000, 1], strides = [1, 1]} : vector<10112x1xf32> to vector<10000x1xf32>
    %get3A_2 = arith.constant 0 : index
    %get3A_3 = arith.constant 0 : index
    %get3A_4 = arith.constant 0 : index
    %get3A_5 = vector.load %arg0[%get3A_2, %get3A_3, %get3A_4] : memref<2x10112x128xf32, #tpu.memory_space<vmem>>, vector<1x10000x128xf32>
    %get3A_6 = vector.shape_cast %get3A_5 : vector<1x10000x128xf32> to vector<10000x128xf32>
    %get3A_7 = arith.constant 1 : index
    %get3A_8 = arith.constant 0 : index
    %get3A_9 = arith.constant 0 : index
    %get3A_10 = vector.load %arg0[%get3A_7, %get3A_8, %get3A_9] : memref<2x10112x128xf32, #tpu.memory_space<vmem>>, vector<1x10000x128xf32>
    %get3A_11 = vector.shape_cast %get3A_10 : vector<1x10000x128xf32> to vector<10000x128xf32>
    %add3A = arith.addf %get3A_6, %get3A_11 : vector<10000x128xf32>
    %get3A_12 = arith.constant 0 : index
    %get3A_13 = arith.constant 0 : index
    %get3A_14 = vector.load %arg1[%get3A_12, %get3A_13] : memref<10000x128xf32, #tpu.memory_space<vmem>>, vector<10000x128xf32>
    %add3A_15 = arith.addf %add3A, %get3A_14 : vector<10000x128xf32>
    %mul3A = vector.broadcast %slice3A : vector<10000x1xf32> to vector<10000x128xf32>
    %mul3A_16 = arith.mulf %add3A_15, %mul3A : vector<10000x128xf32>
    %get3A_17 = arith.constant 0 : index
    %get3A_18 = vector.load %arg3[%get3A_17] : memref<128xf32, #tpu.memory_space<vmem>>, vector<128xf32>
    %broadcast_in_dim3A = vector.shape_cast %get3A_18 : vector<128xf32> to vector<1x128xf32>
    %add3A_19 = vector.broadcast %broadcast_in_dim3A : vector<1x128xf32> to vector<10000x128xf32>
    %add3A_20 = arith.addf %mul3A_16, %add3A_19 : vector<10000x128xf32>
    %max3A = arith.constant 0.000000e+00 : f32
    %max3A_21 = vector.broadcast %max3A : f32 to vector<10000x128xf32>
    %max3A_22 = arith.maximumf %add3A_20, %max3A_21 : vector<10000x128xf32>
    %swap3A = arith.constant 0 : index
    %swap3A_23 = arith.constant 0 : index
    %swap3A_24 = vector.load %arg4[%swap3A, %swap3A_23] : memref<10000x128xf32, #tpu.memory_space<vmem>>, vector<10000x128xf32>
    tpu.vector_store %arg4[%swap3A, %swap3A_23], %max3A_22 {strides = array<i32>} : memref<10000x128xf32, #tpu.memory_space<vmem>>, vector<10000x128xf32>,
    return
  }
}

</mosaic_0001>

<sc_bundles>
// kernel: kernel.11.cloned.1.call-start
scs
__scs_entry_jumppad:
0x0: {  	(pc) =	sbr.rel $0x88, $3  }
0x1: {  	(tag) =	ssettag $0x0;
	lr =	simm.s32 $0x1  }
0x2: {  	[smem:$0x3F9B] =	sst lr;
	_ =	strace $0xD0000000  }
0x3: {  	_ = 	snop  }
0x4: {  	_ = 	snop  }
0x5: {  	_ = 	snop  }
0x6: {  	_ = 	snop  }
0x7: {  	_ = 	snop  }
__scs_overlays_trampoline_lowered:
0x8: {  	[smem:$0x3FAA] =	sst s0  }
0x9: {  	[smem:$0x3FAB] =	sst s1  }
0xa: {  	[smem:$0x3FAC] =	sst s2  }
0xb: {  	[smem:$0x3FAD] =	sst s3  }
0xc: {  	[smem:$0x3FAE] =	sst s4  }
0xd: {  	[smem:$0x3FAF] =	sst s5  }
0xe: {  	[smem:$0x3FB0] =	sst s6  }
0xf: {  	[smem:$0x3FB1] =	sst s7  }
0x10: {  	[smem:$0x3FB2] =	sst s8  }
0x11: {  	[smem:$0x3FB3] =	sst s9;
	s0 =	simm.s32 @!p0 $0x0  }
0x12: {  	s1 =	sld [smem:$0x3F99];
	s0 =	simm.s32 @p0 $0x1  }
0x13: {  	[smem:$0x3FB4] =	sst s0;
	s0 =	simm.s32 @!p1 $0x0  }
0x14: {  	s2 =	sld [smem:$0x3F98];
	s0 =	simm.s32 @p1 $0x1  }
0x15: {  	[smem:$0x3FB5] =	sst s0;
	s0 =	simm.s32 @!p2 $0x0  }
0x16: {  	s3 =	sld [smem:$0x3FDB];
	s0 =	simm.s32 @p2 $0x1  }
0x17: {  	s4 =	simm.s32 $0x1BF5;
	[smem:$0x3FB7] =	sst s0  }
0x18: {  	s0 =	sld [smem:$0x3F9A];
	_ =	swait.ge [sflag:s4], $0x0  }
0x19: {  	s7 =	sld [smem:$0x3F9B]  }
0x1a: {  	s8 =	sadd.s32 $0xFFFFE003, lr  }
0x1b: {  	s9 =	sadd.s32 $0xFFFFFEF7, lr;
	s5 =	simm.s32 $0xFFFFFFFF;
	p2 =	slt.u32 s8, $0xFFFFF086  }
0x1c: {  	p1 =	slt.u32 s9, $0xF7A;
	s5 =	simm.s32 @!p2 $0x0  }
0x1d: {  	s5 =	simm.s32 @p1 $0x1;
	p0 =	seq.s32 s7, s2  }
0x1e: {  	s7 =	smul.u32 @!p0 $0xF7A, s2;
	p2 =	seq.s32 @!p0 s5, $0x0  }
0x1f: {  	s9 =	smul.u32 $0xF7A, s1;
	s8 =	simm.s32 @!p0 $0x1BF5;
	p2 =	por !p2, p0  }
0x20: {  	[sflag:s8] =	ssyncset.s32 @!p0 $0xFFFFF086;
	s6 =	sadd.s32 @!p0 s3, s7;
	s7 =	simm.s32 @!p0 $0x108  }
0x21: {  	s3 =	sadd.s32 s3, s9;
	s6 =	sadd.s32 @!p0 $0x88, s6;
	s7 =	simm.s32 @p2 $0x1082  }
0x22: {  	[simem:s7], [sflag:s8] =	dma.local @!p0 [hbm:s6], $0xF7A  }
0x23: {  	s9 =	sor.u32 $0xD0000000, s2;
	s6 =	simm.s32 $0x108;
	_ =	swait.ge @!p0 [sflag:s8], $0x0  }
0x24: {  	s3 =	sadd.s32 $0x88, s3;
	s6 =	simm.s32 @!p1 $0x1082;
	[sflag:s4] =	ssyncset.s32 $0xFFFFF086  }
0x25: {  	[simem:s6], [sflag:s4] =	dma.local [hbm:s3], $0xF7A  }
0x26: {  	[smem:$0x3F9B] =	sst s1;
	(tag) =	ssettag s2;
	_ =	strace s9  }
0x27: {  	s1 =	sld [smem:$0x3FAB]  }
0x28: {  	s2 =	sld [smem:$0x3FAC]  }
0x29: {  	s4 =	sld [smem:$0x3FAE]  }
0x2a: {  	p0 =	seq.s32 s5, $0x0;
	s5 =	sld [smem:$0x3FAF]  }
0x2b: {  	s6 =	sld [smem:$0x3FB0]  }
0x2c: {  	s7 =	sld [smem:$0x3FB1]  }
0x2d: {  	s3 =	simm.s32 $0x108;
	s8 =	sld [smem:$0x3FB2]  }
0x2e: {  	s3 =	simm.s32 @!p0 $0x1082;
	s9 =	sld [smem:$0x3FB3]  }
0x2f: {  	lr =	sadd.s32 s0, s3;
	s0 =	sld [smem:$0x3FAA]  }
0x30: {  	s3 =	sld [smem:$0x3FAD]  }
0x31: {  	[smem:$0x3FB6] =	sst s10  }
0x32: {  	s10 =	sld [smem:$0x3FB4];
	_ =	sdelay $0x3  }
0x33: {  	p0 =	seq.s32 s10, $0x1;
	s10 =	sld [smem:$0x3FB6];
	_ =	sdelay $0x3  }
0x34: {  	[smem:$0x3FB6] =	sst s10  }
0x35: {  	s10 =	sld [smem:$0x3FB5];
	_ =	sdelay $0x3  }
0x36: {  	p1 =	seq.s32 s10, $0x1;
	s10 =	sld [smem:$0x3FB6];
	_ =	sdelay $0x3  }
0x37: {  	[smem:$0x3FB6] =	sst s10  }
0x38: {  	s10 =	sld [smem:$0x3FB7]  }
0x39: {  	_ = 	snop;
	(pc) =	sbr.ind lr, $3  }
0x3a: {  	_ = 	snop  }
0x3b: {  	_ = 	snop  }
0x3c: {  	p2 =	seq.s32 s10, $0x1;
	s10 =	sld [smem:$0x3FB6]  }
0x3d: {  	_ =	shalt  }
0x3e: {  	_ =	shalt  }
0x3f: {  	_ =	shalt  }
0x40: {  	_ =	shalt  }
0x41: {  	_ =	shalt  }
0x42: {  	_ =	shalt  }
0x43: {  	_ =	shalt  }
0x44: {  	_ =	shalt  }
0x45: {  	_ =	shalt  }
0x46: {  	_ =	shalt  }
0x47: {  	_ =	shalt  }
0x48: {  	_ =	shalt  }
0x49: {  	_ =	shalt  }
0x4a: {  	_ =	shalt  }
0x4b: {  	_ =	shalt  }
0x4c: {  	_ =	shalt  }
0x4d: {  	_ =	shalt  }
0x4e: {  	_ =	shalt  }
0x4f: {  	_ =	shalt  }
0x50: {  	_ =	shalt  }
0x51: {  	_ =	shalt  }
0x52: {  	_ =	shalt  }
0x53: {  	_ =	shalt  }
0x54: {  	_ =	shalt  }
0x55: {  	_ =	shalt  }
0x56: {  	_ =	shalt  }
0x57: {  	_ =	shalt  }
0x58: {  	_ =	shalt  }
0x59: {  	_ =	shalt  }
0x5a: {  	_ =	shalt  }
0x5b: {  	_ =	shalt  }
0x5c: {  	_ =	shalt  }
0x5d: {  	_ =	shalt  }
0x5e: {  	_ =	shalt  }
0x5f: {  	_ =	shalt  }
0x60: {  	_ =	shalt  }
0x61: {  	_ =	shalt  }
0x62: {  	_ =	shalt  }
0x63: {  	_ =	shalt  }
0x64: {  	_ =	shalt  }
0x65: {  	_ =	shalt  }
0x66: {  	_ =	shalt  }
0x67: {  	_ =	shalt  }
0x68: {  	_ =	shalt  }
0x69: {  	_ =	shalt  }
0x6a: {  	_ =	shalt  }
0x6b: {  	_ =	shalt  }
0x6c: {  	_ =	shalt  }
0x6d: {  	_ =	shalt  }
0x6e: {  	_ =	shalt  }
0x6f: {  	_ =	shalt  }
0x70: {  	_ =	shalt  }
0x71: {  	_ =	shalt  }
0x72: {  	_ =	shalt  }
0x73: {  	_ =	shalt  }
0x74: {  	_ =	shalt  }
0x75: {  	_ =	shalt  }
0x76: {  	_ =	shalt  }
0x77: {  	_ =	shalt  }
0x78: {  	_ =	shalt  }
0x79: {  	_ =	shalt  }
0x7a: {  	_ =	shalt  }
0x7b: {  	_ =	shalt  }
0x7c: {  	_ =	shalt  }
0x7d: {  	_ =	shalt  }
0x7e: {  	_ =	shalt  }
0x7f: {  	_ =	shalt  }
0x80: {  	_ =	shalt  }
0x81: {  	_ =	shalt  }
0x82: {  	_ =	shalt  }
0x83: {  	_ =	shalt  }
0x84: {  	_ =	shalt  }
0x85: {  	_ =	shalt  }
0x86: {  	_ =	shalt  }
0x87: {  	_ =	shalt  }
.Lfunc_end0:
.L_simem_size_0:
called_computation.1_lowered:
.L_overlay_start_0:
0x88: {  	s2 =	sld [smem:$0x3FD9]  }
0x89: {  	s3 =	sld [smem:$0x3FFE];
	_ =	sdelay $0x1  }
0x8a: {  	s1 =	srdreg.scid  }
0x8b: {  	s0 =	sand.u32 $0x1, s1  }
0x8c: {  	s17 =	sshll.u32 s0, $0xA;
	s2 =	sadd.s32 s3, s2  }
0x8d: {  	s2 =	sadd.s32 s2, s17  }
0x8e: {  	[smem:$0x3FC2] =	sst s2  }
0x8f: {  	_ = 	snop  }
0x90: {  	s2 =	sld [smem:$0x3FD0];
	(tm) =	ssettm $0x1  }
0x91: {  	s18 =	sld [smem:$0x3FFB];
	_ =	sdelay $0x3  }
0x92: {  	_ =	strace s18  }
0x93: {  	s3 =	sld [smem:$0x3FFC];
	_ =	sdelay $0x3  }
0x94: {  	_ =	strace s3  }
0x95: {  	s3 =	sld [smem:$0x3FFD];
	_ =	sdelay $0x3  }
0x96: {  	_ =	strace s3  }
0x97: {  	_ =	strace $0x8FFFFFFF  }
0x98: {  	s19 =	sld [smem:$0x3FDB];
	_ =	sdelay $0x1  }
0x99: {  	s4 =	simm.s32 $_scs_section_size  }
0x9a: {  	s5 =	simm.s32 $_size__tile_overlayer_lowered;
	s6 =	simm.s32 $_tile_overlayer_lowered  }
0x9b: {  	s22 =	simm.s32 $0x1BFF;
	s21 =	sshll.u32 s6, $0x1;
	s3 =	sadd.s32 s4, s19  }
0x9c: {  	s7 =	simm.s32 $0x0;
	s20 =	sshll.u32 s5, $0x1;
	s5 =	sadd.s32 s21, s3  }
0x9d: {  	[timem:s7], [sflag:s22] =	dma.local [hbm:s5], s20  }
0x9e: {  	_ =	swait.ge [sflag:s22], s20  }
0x9f: {  	s4 =	ssub.s32 $0x0, s20;
	[sflag:s22] =	ssyncset.done $0x0  }
0xa0: {  	[sflag:s22] =	ssyncadd.s32 s4;
	_ =	sdelay $0x1  }
0xa1: {  	s23 =	simm.s32 $0x1B8B  }
0xa2: {  	_ =	swait.ge [sflag:s23], $0x1  }
0xa3: {  	[sflag:s23] =	ssyncset.done $0x0  }
0xa4: {  	s25 =	simm.s32 $0x1B8E;
	s24 =	sld [smem:$0x3FFE];
	[sflag:s23] =	ssyncadd.s32 $0xFFFFFFFF  }
0xa5: {  	s26 =	simm.s32 $execute0_lowered;
	[smem:$0x3FD2] =	sst s25  }
0xa6: {  	s5 =	sshll.u32 s26, $0x1;
	_ =	strace $0x80000049;
	[dreg:$0x1] =	wrdreg $0xFFFFFFFF  }
0xa7: {  	s28 =	simm.s32 $_size_execute0_lowered;
	s3 =	sadd.s32 s3, s5;
	[dreg:$0x0] =	wrdreg $0x0  }
0xa8: {  	s5 =	sshll.u32 s28, $0x1;
	[dreg:$0x2] =	wrdreg s3  }
0xa9: {  	[dreg:$0x3] =	wrdreg s5  }
0xaa: {  	[dreg:$0x4] =	wrdreg $0xC0  }
0xab: {  	_ =	task [dreg:s7], $0x5FFFF  }
0xac: {  	[dreg:$0x1] =	wrdreg $0xFFFFFFFF  }
0xad: {  	[dreg:$0x0] =	wrdreg $0x60  }
0xae: {  	[dreg:$0x2] =	wrdreg s2  }
0xaf: {  	[dreg:$0x3] =	wrdreg s24  }
0xb0: {  	[dreg:$0x4] =	wrdreg $0x32000  }
0xb1: {  	[dreg:$0x5] =	wrdreg $0x9  }
0xb2: {  	_ =	task.clear_ibuf [dreg:s7], $0x6FFFF;
	_ =	strace $0x90000049  }
0xb3: {  	s29 =	simm.s32 $0x9;
	_ =	strace $0x8000004B  }
0xb4: {  	_ =	swait.ge [sflag:s29], $0x1  }
0xb5: {  	[sflag:s29] =	ssyncadd.s32 $0xFFFFFFFF  }
0xb6: {  	_ =	strace $0x9000004B  }
0xb7: {  	_ =	sfence  }
0xb8: {  	s30 =	sld [smem:$0x0];
	_ =	sdelay $0x2  }
0xb9: {  	s31 =	sshll.u32 s1, $0xD;
	s1 =	sshrl.u32 s1, $0x2  }
0xba: {  	s3 =	sand.u32 $0x4000, s31;
	s1 =	sadd.s32 s1, s30  }
0xbb: {  	s0 =	sor.u32 s3, s0;
	s1 =	sshll.u32 s1, $0x11  }
0xbc: {  	s0 =	sor.u32 s1, s0  }
0xbd: {  	s0 =	sadd.s32 $0x8F2B, s0  }
0xbe: {  	[sflag:s0] =	ssyncadd.remote.s32 $0x1  }
0xbf: {  	_ =	sfence.sel $0xFFFF  }
0xc0: {  	[dreg:$0x0] =	wrdreg $0xFFFFFFFF;
	(pc) =	sbr.abs _section_cstart, $3  }
0xc1: {  	[dreg:$0x1] =	wrdreg $0xFFFFFFFF  }
0xc2: {  	_ =	task.clear_ibuf [dreg:s7], $0x2FFFF;
	_ =	strace $0x9FFFFFFF  }
0xc3: {  	(tm) =	ssettm $0x7FFFFFFF  }
tec
execute0_lowered:
.L_overlay_start_1:
0x0: {  	(tag) =	ssettag $0x1  }
0x1: {  	s1 =	rddreg [dreg:$0x0]  }
0x2: {  	s0 =	rddreg [dreg:$0x1]  }
0x3: {  	s2 =	rddreg [dreg:$0x2];
	s3 =	srdreg.scid  }
0x4: {  	s4 =	simm.s32 $0x0;
	s10 =	stileid.u32;
	s28 =	simm.s32 $0x100  }
0x5: {  	s29 =	simm.s32 $0x1;
	s30 =	simm.s32 $0x30;
	s6 =	smul.u32 $0x13C00, s10  }
0x6: {  	s31 =	simm.s32 $0x2;
	s3 =	sand.u32 $0x1, s3;
	s17 =	smul.u32 $0x4F000, s10  }
0x7: {  	[smem:$0x7FF] =	sst s4;
	s8 =	sadd.s32 $0x2600, s0;
	s26 =	smul.u32 $0xD400, s10  }
0x8: {  	s5 =	smul.u32 $0x13C000, s3;
	_ =	strace $0x8000004A;
	s7 =	sshll.u32 s3, $0x4  }
0x9: {  	s9 =	ssub.s32 $0x2, s3;
	s24 =	smul.u32 $0xD4000, s3;
	s16 =	sor.u32 s10, s7  }
0xa: {  	s18 =	sshrl.u32 s17, $0x2;
	s19 =	sshrl.u32 s9, $0x1;
	s10 =	simm.s32 $0x0  }
0xb: {  	s5 =	sadd.s32 s6, s5;
	s6 =	smul.u32 $0xD400, s16;
	s9 =	ssub.s32 s9, s19  }
0xc: {  	s5 =	sshrl.u32 s5, $0x3;
	s21 =	smax.u32 s9, $0x1;
	s9 =	simm.s32 $0x180  }
0xd: {  	s0 =	sadd.s32 s5, s0;
	s5 =	sadd.s32 s18, s2;
	s6 =	sshrl.u32 s6, $0x3  }
0xe: {  	[dreg:$0x7] =	wrdreg s21;
	s20 =	sadd.s32 $0x13800, s5;
	s7 =	sadd.s32 s8, s6  }
0xf: {  	s0 =	sadd.s32 $0x37600, s0;
	s22 =	sadd.s32 $0x1800, s5;
	s23 =	sadd.s32 $0x3000, s5  }
0x10: {  	s25 =	sadd.s32 $0x4800, s5;
	s14 =	sadd.s32 $0x6000, s5;
	[dreg:$0x4] =	wrdreg s20  }
0x11: {  	s15 =	sadd.s32 $0x7800, s5;
	s16 =	sadd.s32 $0x9000, s5;
	[dreg:$0x6] =	wrdreg s0  }
0x12: {  	s17 =	sadd.s32 $0xA800, s5;
	s18 =	sadd.s32 $0xC000, s5;
	[dreg:$0x8] =	wrdreg s22  }
0x13: {  	s19 =	sadd.s32 $0xD800, s5;
	s21 =	sadd.s32 $0x10800, s5;
	[dreg:$0x9] =	wrdreg s23  }
0x14: {  	s6 =	sadd.s32 $0x20, s7;
	[dreg:$0xa] =	wrdreg s25;
	s0 =	sadd.s32 s26, s24  }
0x15: {  	s20 =	sadd.s32 $0xF000, s5;
	s22 =	sadd.s32 $0x12000, s5;
	s25 =	simm.s32 $0x200  }
0x16: {  	s26 =	simm.s32 $0x5;
	s3 =	sor.u32 $0x300, s0;
	s0 =	sor.u32 $0x200, s0  }
0x17: {  	[dreg:$0x5] =	wrdreg s6;
	s3 =	sshrl.u32 s3, $0x3;
	s0 =	sshrl.u32 s0, $0x3  }
0x18: {  	s6 =	simm.s32 $0x80;
	s23 =	sadd.s32 s3, s8;
	s24 =	sadd.s32 s0, s8  }
0x19: {  	v0 =	vimm.f32 $0.0e+00;
	s0 =	simm.s32 $0x3;
	s3 =	simm.s32 $0x1A00;
	s8 =	simm.s32 $0x4  }
.LBB2_1:
0x1a: {  	s11 =	simm.s32 $0x0;
	s12 =	simm.s32 $0x200  }
.LBB2_2:
0x1b: {  	p0 =	sne.s32 s12, $0x5E00;
	[tilespmem:s11+$0x270] =	vst v0  }
0x1c: {  	[tilespmem:s11+$0x200] =	vst v0  }
0x1d: {  	[tilespmem:s11+$0x210] =	vst v0  }
.Ltmp0:
0x1e: {  	[tilespmem:s11+$0x220] =	vst v0;
	(pc) =	sbr.rel @p0 .LBB2_2-.Ltmp0, $4  }
0x1f: {  	[tilespmem:s11+$0x230] =	vst v0  }
0x20: {  	[tilespmem:s11+$0x240] =	vst v0  }
0x21: {  	[tilespmem:s11+$0x250] =	vst v0  }
0x22: {  	[tilespmem:s11+$0x260] =	vst v0;
	s11 =	sshra.s32 s12, $0x2;
	s12 =	sadd.s32 $0x200, s12  }
0x23: {  	[tilespmem:s11+$0x270] =	vst v0  }
0x24: {  	[tilespmem:s11+$0x200] =	vst v0  }
0x25: {  	[tilespmem:s11+$0x210] =	vst v0  }
0x26: {  	[tilespmem:s11+$0x220] =	vst v0  }
0x27: {  	[tilespmem:s11+$0x230] =	vst v0  }
0x28: {  	[tilespmem:s11+$0x240] =	vst v0  }
0x29: {  	[tilespmem:s11+$0x250] =	vst v0  }
0x2a: {  	[tilespmem:s11+$0x260] =	vst v0  }
0x2b: {  	[spmem:s5] =	stream.linear.scatter [tilespmem:s25], [sflag:$0x5], $0x1800, $0x38;
	[tilespmem:$0x16E00] =	vst v63  }
0x2c: {  	_ =	swait.ge [sflag:s26], $0x1800  }
0x2d: {  	[sflag:s26] =	ssyncset.done $0x0  }
0x2e: {  	s13 =	rddreg [dreg:$0x8];
	[sflag:s26] =	ssyncadd.s32 $0xFFFFE800  }
0x2f: {  	[spmem:s13] =	stream.linear.scatter [tilespmem:s25], [sflag:$0x5], $0x1800, $0x38;
	[tilespmem:$0x16E00] =	vst v63  }
0x30: {  	_ =	swait.ge [sflag:s26], $0x1800  }
0x31: {  	[sflag:s26] =	ssyncset.done $0x0  }
0x32: {  	s12 =	rddreg [dreg:$0x9];
	[sflag:s26] =	ssyncadd.s32 $0xFFFFE800  }
0x33: {  	[spmem:s12] =	stream.linear.scatter [tilespmem:s25], [sflag:$0x5], $0x1800, $0x38;
	[tilespmem:$0x16E00] =	vst v63  }
0x34: {  	_ =	swait.ge [sflag:s26], $0x1800  }
0x35: {  	[sflag:s26] =	ssyncset.done $0x0  }
0x36: {  	s13 =	rddreg [dreg:$0xa];
	[sflag:s26] =	ssyncadd.s32 $0xFFFFE800  }
0x37: {  	[spmem:s13] =	stream.linear.scatter [tilespmem:s25], [sflag:$0x5], $0x1800, $0x38;
	[tilespmem:$0x16E00] =	vst v63  }
0x38: {  	_ =	swait.ge [sflag:s26], $0x1800  }
0x39: {  	[sflag:s26] =	ssyncset.done $0x0  }
0x3a: {  	[sflag:s26] =	ssyncadd.s32 $0xFFFFE800  }
0x3b: {  	[spmem:s14] =	stream.linear.scatter [tilespmem:s25], [sflag:$0x5], $0x1800, $0x38;
	[tilespmem:$0x16E00] =	vst v63  }
0x3c: {  	_ =	swait.ge [sflag:s26], $0x1800  }
0x3d: {  	[sflag:s26] =	ssyncset.done $0x0  }
0x3e: {  	[sflag:s26] =	ssyncadd.s32 $0xFFFFE800  }
0x3f: {  	[spmem:s15] =	stream.linear.scatter [tilespmem:s25], [sflag:$0x5], $0x1800, $0x38;
	[tilespmem:$0x16E00] =	vst v63  }
0x40: {  	_ =	swait.ge [sflag:s26], $0x1800  }
0x41: {  	[sflag:s26] =	ssyncset.done $0x0  }
0x42: {  	[sflag:s26] =	ssyncadd.s32 $0xFFFFE800  }
0x43: {  	[spmem:s16] =	stream.linear.scatter [tilespmem:s25], [sflag:$0x5], $0x1800, $0x38;
	[tilespmem:$0x16E00] =	vst v63  }
0x44: {  	_ =	swait.ge [sflag:s26], $0x1800  }
0x45: {  	[sflag:s26] =	ssyncset.done $0x0  }
0x46: {  	[sflag:s26] =	ssyncadd.s32 $0xFFFFE800  }
0x47: {  	[spmem:s17] =	stream.linear.scatter [tilespmem:s25], [sflag:$0x5], $0x1800, $0x38;
	[tilespmem:$0x16E00] =	vst v63  }
0x48: {  	_ =	swait.ge [sflag:s26], $0x1800  }
0x49: {  	[sflag:s26] =	ssyncset.done $0x0  }
0x4a: {  	[sflag:s26] =	ssyncadd.s32 $0xFFFFE800  }
0x4b: {  	[spmem:s18] =	stream.linear.scatter [tilespmem:s25], [sflag:$0x5], $0x1800, $0x38;
	[tilespmem:$0x16E00] =	vst v63  }
0x4c: {  	_ =	swait.ge [sflag:s26], $0x1800  }
0x4d: {  	[sflag:s26] =	ssyncset.done $0x0  }
0x4e: {  	[sflag:s26] =	ssyncadd.s32 $0xFFFFE800  }
0x4f: {  	[spmem:s19] =	stream.linear.scatter [tilespmem:s25], [sflag:$0x5], $0x1800, $0x38;
	[tilespmem:$0x16E00] =	vst v63  }
0x50: {  	_ =	swait.ge [sflag:s26], $0x1800  }
0x51: {  	[sflag:s26] =	ssyncset.done $0x0  }
0x52: {  	[sflag:s26] =	ssyncadd.s32 $0xFFFFE800  }
0x53: {  	[spmem:s20] =	stream.linear.scatter [tilespmem:s25], [sflag:$0x5], $0x1800, $0x38;
	[tilespmem:$0x16E00] =	vst v63  }
0x54: {  	_ =	swait.ge [sflag:s26], $0x1800  }
0x55: {  	[sflag:s26] =	ssyncset.done $0x0  }
0x56: {  	[sflag:s26] =	ssyncadd.s32 $0xFFFFE800  }
0x57: {  	[spmem:s21] =	stream.linear.scatter [tilespmem:s25], [sflag:$0x5], $0x1800, $0x38;
	[tilespmem:$0x16E00] =	vst v63  }
0x58: {  	_ =	swait.ge [sflag:s26], $0x1800  }
0x59: {  	[sflag:s26] =	ssyncset.done $0x0  }
0x5a: {  	[sflag:s26] =	ssyncadd.s32 $0xFFFFE800  }
0x5b: {  	[spmem:s22] =	stream.linear.scatter [tilespmem:s25], [sflag:$0x5], $0x1800, $0x38;
	[tilespmem:$0x16E00] =	vst v63  }
0x5c: {  	_ =	swait.ge [sflag:s26], $0x1800  }
0x5d: {  	[sflag:s26] =	ssyncset.done $0x0  }
0x5e: {  	s12 =	rddreg [dreg:$0x4];
	[sflag:s26] =	ssyncadd.s32 $0xFFFFE800  }
0x5f: {  	[spmem:s12] =	stream.linear.scatter [tilespmem:s25], [sflag:$0x5], $0x400, $0x38;
	[tilespmem:$0x16E00] =	vst v63  }
0x60: {  	_ =	swait.ge [sflag:s26], $0x400  }
0x61: {  	[sflag:s26] =	ssyncset.done $0x0  }
0x62: {  	[sflag:s26] =	ssyncadd.s32 $0xFFFFFC00  }
0x63: {  	s13 =	simm.s32 $0x0;
	[bflag:$0x0] =	sbarrier.arrive $0xFFFF  }
0x64: {  	[tilespmem:s13], [sflag:$0x1] =	stream.linear.gather [hbm4b:s7+s13], $0x100, $0x38;
	[tilespmem:$0x16E00] =	vst v63  }
0x65: {  	s12 =	rddreg [dreg:$0x5]  }
0x66: {  	[tilespmem:s28], [sflag:$0x2] =	stream.linear.gather [hbm4b:s12+s13], $0x100, $0x38;
	[tilespmem:$0x16E00] =	vst v63  }
0x67: {  	_ =	swait.ge [sflag:s29], $0x100  }
0x68: {  	[sflag:s29] =	ssyncset.done $0x0  }
0x69: {  	[sflag:s29] =	ssyncadd.s32 $0xFFFFFF00  }
0x6a: {  	[tilespmem:s25], [sflag:$0x3] =	stream.indirect.gather [hbm4b:s1+s30], $0x80, s13, s30, $0xb8;
	[tilespmem:$0x16E00] =	vst v63  }
0x6b: {  	_ =	swait.ge [sflag:s31], $0x100  }
0x6c: {  	[sflag:s31] =	ssyncset.done $0x0  }
0x6d: {  	[sflag:s31] =	ssyncadd.s32 $0xFFFFFF00  }
0x6e: {  	_ =	swait.ge [sflag:s0], $0x1800  }
0x6f: {  	[sflag:s0] =	ssyncset.done $0x0  }
0x70: {  	[sflag:s0] =	ssyncadd.s32 $0xFFFFE800  }
0x71: {  	[tilespmem:s3], [sflag:$0x4] =	stream.indirect.gather [hbm4b:s1+s30], $0x80, s28, s30, $0xb8;
	[tilespmem:$0x16E00] =	vst v63  }
0x72: {  	_ = 	snop  }
0x73: {  	[spmem:s2] =	stream.indirect.scatter.add.f32 [tilespmem:s25], [sflag:$0x5], $0x80, s6, s30, $0xb8;
	[tilespmem:$0x16E00] =	vst v63  }
0x74: {  	_ =	swait.ge [sflag:s26], $0x1800  }
0x75: {  	[sflag:s26] =	ssyncset.done $0x0  }
0x76: {  	s13 =	sadd.s32 $0x0, s24;
	[sflag:s26] =	ssyncadd.s32 $0xFFFFE800  }
0x77: {  	[tilespmem:s4], [sflag:$0x1] =	stream.linear.gather [hbm4b:s13+s4], $0x100, $0x38;
	[tilespmem:$0x16E00] =	vst v63  }
0x78: {  	_ =	swait.ge [sflag:s8], $0x1800  }
0x79: {  	[sflag:s8] =	ssyncset.done $0x0  }
0x7a: {  	[sflag:s8] =	ssyncadd.s32 $0xFFFFE800  }
0x7b: {  	_ =	swait.ge [sflag:s29], $0x100  }
0x7c: {  	[sflag:s29] =	ssyncset.done $0x0  }
0x7d: {  	[sflag:s29] =	ssyncadd.s32 $0xFFFFFF00  }
0x7e: {  	[tilespmem:s25], [sflag:$0x3] =	stream.indirect.gather [hbm4b:s1+s30], $0x80, s4, s30, $0xb8;
	[tilespmem:$0x16E00] =	vst v63  }
0x7f: {  	_ = 	snop  }
0x80: {  	[spmem:s2] =	stream.indirect.scatter.add.f32 [tilespmem:s3], [sflag:$0x5], $0x80, s9, s30, $0xb8;
	[tilespmem:$0x16E00] =	vst v63  }
0x81: {  	_ =	swait.ge [sflag:s26], $0x1800  }
0x82: {  	[sflag:s26] =	ssyncset.done $0x0  }
0x83: {  	s11 =	simm.s32 $0x40;
	s12 =	sadd.s32 $0x0, s23;
	[sflag:s26] =	ssyncadd.s32 $0xFFFFE800  }
.LBB2_4:
0x84: {  	[tilespmem:s28], [sflag:$0x2] =	stream.linear.gather [hbm4b:s12+s4], $0x100, $0x38;
	[tilespmem:$0x16E00] =	vst v63  }
0x85: {  	s12 =	smov.u32 s11  }
0x86: {  	p0 =	sne.s32 s11, $0x1A00;
	s11 =	sadd.s32 $0x40, s11;
	_ =	swait.ge [sflag:s31], $0x100  }
0x87: {  	[sflag:s31] =	ssyncset.done $0x0  }
0x88: {  	[sflag:s31] =	ssyncadd.s32 $0xFFFFFF00  }
0x89: {  	_ =	swait.ge [sflag:s0], $0x1800  }
0x8a: {  	[sflag:s0] =	ssyncset.done $0x0  }
0x8b: {  	[sflag:s0] =	ssyncadd.s32 $0xFFFFE800  }
0x8c: {  	[tilespmem:s3], [sflag:$0x4] =	stream.indirect.gather [hbm4b:s1+s30], $0x80, s28, s30, $0xb8;
	[tilespmem:$0x16E00] =	vst v63  }
0x8d: {  	_ = 	snop  }
0x8e: {  	[spmem:s2] =	stream.indirect.scatter.add.f32 [tilespmem:s25], [sflag:$0x5], $0x80, s6, s30, $0xb8;
	[tilespmem:$0x16E00] =	vst v63  }
0x8f: {  	_ =	swait.ge [sflag:s26], $0x1800  }
0x90: {  	[sflag:s26] =	ssyncset.done $0x0  }
0x91: {  	s13 =	sadd.s32 s12, s24;
	[sflag:s26] =	ssyncadd.s32 $0xFFFFE800  }
0x92: {  	[tilespmem:s4], [sflag:$0x1] =	stream.linear.gather [hbm4b:s13+s4], $0x100, $0x38;
	[tilespmem:$0x16E00] =	vst v63  }
0x93: {  	_ =	swait.ge [sflag:s8], $0x1800  }
0x94: {  	[sflag:s8] =	ssyncset.done $0x0  }
0x95: {  	[sflag:s8] =	ssyncadd.s32 $0xFFFFE800  }
0x96: {  	_ =	swait.ge [sflag:s29], $0x100  }
0x97: {  	[sflag:s29] =	ssyncset.done $0x0  }
0x98: {  	[sflag:s29] =	ssyncadd.s32 $0xFFFFFF00  }
0x99: {  	[tilespmem:s25], [sflag:$0x3] =	stream.indirect.gather [hbm4b:s1+s30], $0x80, s4, s30, $0xb8;
	[tilespmem:$0x16E00] =	vst v63  }
.Ltmp1:
0x9a: {  	(pc) =	sbr.rel @p0 .LBB2_4-.Ltmp1, $4  }
0x9b: {  	[spmem:s2] =	stream.indirect.scatter.add.f32 [tilespmem:s3], [sflag:$0x5], $0x80, s9, s30, $0xb8;
	[tilespmem:$0x16E00] =	vst v63  }
0x9c: {  	_ =	swait.ge [sflag:s26], $0x1800  }
0x9d: {  	[sflag:s26] =	ssyncset.done $0x0  }
0x9e: {  	s12 =	sadd.s32 s12, s23;
	[sflag:s26] =	ssyncadd.s32 $0xFFFFE800  }
0x9f: {  	[tilespmem:s28], [sflag:$0x2] =	stream.linear.gather [hbm4b:s12+s4], $0x100, $0x38;
	[tilespmem:$0x16E00] =	vst v63  }
0xa0: {  	_ =	swait.ge [sflag:s0], $0x1800  }
0xa1: {  	[sflag:s0] =	ssyncset.done $0x0  }
0xa2: {  	[sflag:s0] =	ssyncadd.s32 $0xFFFFE800  }
0xa3: {  	_ =	swait.ge [sflag:s31], $0x100  }
0xa4: {  	[sflag:s31] =	ssyncset.done $0x0  }
0xa5: {  	s11 =	stileid.u32;
	[sflag:s31] =	ssyncadd.s32 $0xFFFFFF00  }
0xa6: {  	s11 =	sshll.u32 s11, $0x6;
	[bflag:$0x0] =	sbarrier.arrive $0xFFFF  }
0xa7: {  	s12 =	sshrl.u32 s5, $0x3;
	s11 =	sor.u32 $0x1C05, s11;
	s13 =	rddreg [dreg:$0x6]  }
0xa8: {  	[hbm:s13], [sflag:s11] =	dma.local [spmem:s12], $0x2780  }
0xa9: {  	_ =	swait.ge [sflag:s26], $0x2780  }
0xaa: {  	s10 =	sadd.s32 $0x1, s10;
	s13 =	rddreg [dreg:$0x7]  }
0xab: {  	p0 =	sne.s32 s10, s13  }
.Ltmp2:
0xac: {  	_ = 	snop;
	(pc) =	sbr.rel @p0 .LBB2_1-.Ltmp2, $3  }
0xad: {  	_ =	sdelay $0x1  }
0xae: {  	[sflag:s26] =	ssyncset.done $0x0  }
0xaf: {  	[sflag:s26] =	ssyncadd.s32 $0xFFFFD880  }
0xb0: {  	_ =	sfence.sel $0x180000  }
0xb1: {  	[bflag:$0x0] =	sbarrier.arrive $0xFFFF  }
0xb2: {  	_ =	strace $0x9000004A  }
0xb3: {  	s0 =	stileid.u32;
	[bflag:$0x2] =	sbarrier.arrive $0xFFFF  }
0xb4: {  	p0 =	sne.s32 s0, $0x0;
	s0 =	rddreg [dreg:$0x3]  }
0xb5: {  	s0 =	sadd.s32 @!p0 $0x100000, s0  }
0xb6: {  	[sflag:s0] =	ssyncadd.tile.s32 @!p0 $0x1;
	_ =	shalt  }
.Lfunc_end2:
_tile_overlayer_lowered:
.L_overlay_start_2:
0xb7: {  	(tag) =	ssettag $0x2  }
0xb8: {  	s0 =	rddreg [dreg:$0x0];
	s2 =	stileid.u32  }
0xb9: {  	s1 =	rddreg [dreg:$0x1];
	p0 =	sne.s32 s2, $0x0  }
0xba: {  	s3 =	rddreg [dreg:$0x2];
	[bflag:$0x3] =	sbarrier.arrive $0xFFFF;
	s2 =	simm.s32 @!p0 $0x1C05  }
0xbb: {  	[timem:s3], [sflag:s2] =	dma.local @!p0 [hbm:s0], s1  }
0xbc: {  	s0 =	simm.s32 @!p0 $0x5  }
0xbd: {  	_ =	swait.ge @!p0 [sflag:s0], s1  }
0xbe: {  	s1 =	ssub.s32 @!p0 $0x0, s1;
	[sflag:s0] =	ssyncset.done @!p0 $0x0  }
0xbf: {  	[sflag:s0] =	ssyncadd.s32 @!p0 s1  }
0xc0: {  	[bflag:$0x3] =	sbarrier.arrive $0xFFFF  }
0xc1: {  	_ =	shalt  }

// kernel: kernel.14.cloned.1.call-start
scs
__scs_entry_jumppad:
0x0: {  	(pc) =	sbr.rel $0x88, $3  }
0x1: {  	(tag) =	ssettag $0x0;
	lr =	simm.s32 $0x1  }
0x2: {  	[smem:$0x3F9B] =	sst lr;
	_ =	strace $0xD0000000  }
0x3: {  	_ = 	snop  }
0x4: {  	_ = 	snop  }
0x5: {  	_ = 	snop  }
0x6: {  	_ = 	snop  }
0x7: {  	_ = 	snop  }
__scs_overlays_trampoline_lowered:
0x8: {  	[smem:$0x3FAA] =	sst s0  }
0x9: {  	[smem:$0x3FAB] =	sst s1  }
0xa: {  	[smem:$0x3FAC] =	sst s2  }
0xb: {  	[smem:$0x3FAD] =	sst s3  }
0xc: {  	[smem:$0x3FAE] =	sst s4  }
0xd: {  	[smem:$0x3FAF] =	sst s5  }
0xe: {  	[smem:$0x3FB0] =	sst s6  }
0xf: {  	[smem:$0x3FB1] =	sst s7  }
0x10: {  	[smem:$0x3FB2] =	sst s8  }
0x11: {  	[smem:$0x3FB3] =	sst s9;
	s0 =	simm.s32 @!p0 $0x0  }
0x12: {  	s1 =	sld [smem:$0x3F99];
	s0 =	simm.s32 @p0 $0x1  }
0x13: {  	[smem:$0x3FB4] =	sst s0;
	s0 =	simm.s32 @!p1 $0x0  }
0x14: {  	s2 =	sld [smem:$0x3F98];
	s0 =	simm.s32 @p1 $0x1  }
0x15: {  	[smem:$0x3FB5] =	sst s0;
	s0 =	simm.s32 @!p2 $0x0  }
0x16: {  	s3 =	sld [smem:$0x3FDB];
	s0 =	simm.s32 @p2 $0x1  }
0x17: {  	s4 =	simm.s32 $0x1BF5;
	[smem:$0x3FB7] =	sst s0  }
0x18: {  	s0 =	sld [smem:$0x3F9A];
	_ =	swait.ge [sflag:s4], $0x0  }
0x19: {  	s7 =	sld [smem:$0x3F9B]  }
0x1a: {  	s8 =	sadd.s32 $0xFFFFE003, lr  }
0x1b: {  	s9 =	sadd.s32 $0xFFFFFEF7, lr;
	s5 =	simm.s32 $0xFFFFFFFF;
	p2 =	slt.u32 s8, $0xFFFFF086  }
0x1c: {  	p1 =	slt.u32 s9, $0xF7A;
	s5 =	simm.s32 @!p2 $0x0  }
0x1d: {  	s5 =	simm.s32 @p1 $0x1;
	p0 =	seq.s32 s7, s2  }
0x1e: {  	s7 =	smul.u32 @!p0 $0xF7A, s2;
	p2 =	seq.s32 @!p0 s5, $0x0  }
0x1f: {  	s9 =	smul.u32 $0xF7A, s1;
	s8 =	simm.s32 @!p0 $0x1BF5;
	p2 =	por !p2, p0  }
0x20: {  	[sflag:s8] =	ssyncset.s32 @!p0 $0xFFFFF086;
	s6 =	sadd.s32 @!p0 s3, s7;
	s7 =	simm.s32 @!p0 $0x108  }
0x21: {  	s3 =	sadd.s32 s3, s9;
	s6 =	sadd.s32 @!p0 $0x88, s6;
	s7 =	simm.s32 @p2 $0x1082  }
0x22: {  	[simem:s7], [sflag:s8] =	dma.local @!p0 [hbm:s6], $0xF7A  }
0x23: {  	s9 =	sor.u32 $0xD0000000, s2;
	s6 =	simm.s32 $0x108;
	_ =	swait.ge @!p0 [sflag:s8], $0x0  }
0x24: {  	s3 =	sadd.s32 $0x88, s3;
	s6 =	simm.s32 @!p1 $0x1082;
	[sflag:s4] =	ssyncset.s32 $0xFFFFF086  }
0x25: {  	[simem:s6], [sflag:s4] =	dma.local [hbm:s3], $0xF7A  }
0x26: {  	[smem:$0x3F9B] =	sst s1;
	(tag) =	ssettag s2;
	_ =	strace s9  }
0x27: {  	s1 =	sld [smem:$0x3FAB]  }
0x28: {  	s2 =	sld [smem:$0x3FAC]  }
0x29: {  	s4 =	sld [smem:$0x3FAE]  }
0x2a: {  	p0 =	seq.s32 s5, $0x0;
	s5 =	sld [smem:$0x3FAF]  }
0x2b: {  	s6 =	sld [smem:$0x3FB0]  }
0x2c: {  	s7 =	sld [smem:$0x3FB1]  }
0x2d: {  	s3 =	simm.s32 $0x108;
	s8 =	sld [smem:$0x3FB2]  }
0x2e: {  	s3 =	simm.s32 @!p0 $0x1082;
	s9 =	sld [smem:$0x3FB3]  }
0x2f: {  	lr =	sadd.s32 s0, s3;
	s0 =	sld [smem:$0x3FAA]  }
0x30: {  	s3 =	sld [smem:$0x3FAD]  }
0x31: {  	[smem:$0x3FB6] =	sst s10  }
0x32: {  	s10 =	sld [smem:$0x3FB4];
	_ =	sdelay $0x3  }
0x33: {  	p0 =	seq.s32 s10, $0x1;
	s10 =	sld [smem:$0x3FB6];
	_ =	sdelay $0x3  }
0x34: {  	[smem:$0x3FB6] =	sst s10  }
0x35: {  	s10 =	sld [smem:$0x3FB5];
	_ =	sdelay $0x3  }
0x36: {  	p1 =	seq.s32 s10, $0x1;
	s10 =	sld [smem:$0x3FB6];
	_ =	sdelay $0x3  }
0x37: {  	[smem:$0x3FB6] =	sst s10  }
0x38: {  	s10 =	sld [smem:$0x3FB7]  }
0x39: {  	_ = 	snop;
	(pc) =	sbr.ind lr, $3  }
0x3a: {  	_ = 	snop  }
0x3b: {  	_ = 	snop  }
0x3c: {  	p2 =	seq.s32 s10, $0x1;
	s10 =	sld [smem:$0x3FB6]  }
0x3d: {  	_ =	shalt  }
0x3e: {  	_ =	shalt  }
0x3f: {  	_ =	shalt  }
0x40: {  	_ =	shalt  }
0x41: {  	_ =	shalt  }
0x42: {  	_ =	shalt  }
0x43: {  	_ =	shalt  }
0x44: {  	_ =	shalt  }
0x45: {  	_ =	shalt  }
0x46: {  	_ =	shalt  }
0x47: {  	_ =	shalt  }
0x48: {  	_ =	shalt  }
0x49: {  	_ =	shalt  }
0x4a: {  	_ =	shalt  }
0x4b: {  	_ =	shalt  }
0x4c: {  	_ =	shalt  }
0x4d: {  	_ =	shalt  }
0x4e: {  	_ =	shalt  }
0x4f: {  	_ =	shalt  }
0x50: {  	_ =	shalt  }
0x51: {  	_ =	shalt  }
0x52: {  	_ =	shalt  }
0x53: {  	_ =	shalt  }
0x54: {  	_ =	shalt  }
0x55: {  	_ =	shalt  }
0x56: {  	_ =	shalt  }
0x57: {  	_ =	shalt  }
0x58: {  	_ =	shalt  }
0x59: {  	_ =	shalt  }
0x5a: {  	_ =	shalt  }
0x5b: {  	_ =	shalt  }
0x5c: {  	_ =	shalt  }
0x5d: {  	_ =	shalt  }
0x5e: {  	_ =	shalt  }
0x5f: {  	_ =	shalt  }
0x60: {  	_ =	shalt  }
0x61: {  	_ =	shalt  }
0x62: {  	_ =	shalt  }
0x63: {  	_ =	shalt  }
0x64: {  	_ =	shalt  }
0x65: {  	_ =	shalt  }
0x66: {  	_ =	shalt  }
0x67: {  	_ =	shalt  }
0x68: {  	_ =	shalt  }
0x69: {  	_ =	shalt  }
0x6a: {  	_ =	shalt  }
0x6b: {  	_ =	shalt  }
0x6c: {  	_ =	shalt  }
0x6d: {  	_ =	shalt  }
0x6e: {  	_ =	shalt  }
0x6f: {  	_ =	shalt  }
0x70: {  	_ =	shalt  }
0x71: {  	_ =	shalt  }
0x72: {  	_ =	shalt  }
0x73: {  	_ =	shalt  }
0x74: {  	_ =	shalt  }
0x75: {  	_ =	shalt  }
0x76: {  	_ =	shalt  }
0x77: {  	_ =	shalt  }
0x78: {  	_ =	shalt  }
0x79: {  	_ =	shalt  }
0x7a: {  	_ =	shalt  }
0x7b: {  	_ =	shalt  }
0x7c: {  	_ =	shalt  }
0x7d: {  	_ =	shalt  }
0x7e: {  	_ =	shalt  }
0x7f: {  	_ =	shalt  }
0x80: {  	_ =	shalt  }
0x81: {  	_ =	shalt  }
0x82: {  	_ =	shalt  }
0x83: {  	_ =	shalt  }
0x84: {  	_ =	shalt  }
0x85: {  	_ =	shalt  }
0x86: {  	_ =	shalt  }
0x87: {  	_ =	shalt  }
.Lfunc_end0:
.L_simem_size_0:
called_computation.2_lowered:
.L_overlay_start_0:
0x88: {  	s2 =	sld [smem:$0x3FD9]  }
0x89: {  	s3 =	sld [smem:$0x3FFE];
	_ =	sdelay $0x1  }
0x8a: {  	s1 =	srdreg.scid  }
0x8b: {  	s0 =	sand.u32 $0x1, s1  }
0x8c: {  	s17 =	sshll.u32 s0, $0xA;
	s2 =	sadd.s32 s3, s2  }
0x8d: {  	s2 =	sadd.s32 s2, s17  }
0x8e: {  	[smem:$0x3FC2] =	sst s2  }
0x8f: {  	_ = 	snop  }
0x90: {  	s2 =	sld [smem:$0x3FD0];
	(tm) =	ssettm $0x1  }
0x91: {  	s18 =	sld [smem:$0x3FFB];
	_ =	sdelay $0x3  }
0x92: {  	_ =	strace s18  }
0x93: {  	s3 =	sld [smem:$0x3FFC];
	_ =	sdelay $0x3  }
0x94: {  	_ =	strace s3  }
0x95: {  	s3 =	sld [smem:$0x3FFD];
	_ =	sdelay $0x3  }
0x96: {  	_ =	strace s3  }
0x97: {  	_ =	strace $0x8FFFFFFF  }
0x98: {  	s19 =	sld [smem:$0x3FDB];
	_ =	sdelay $0x1  }
0x99: {  	s4 =	simm.s32 $_scs_section_size  }
0x9a: {  	s5 =	simm.s32 $_size__tile_overlayer_lowered;
	s6 =	simm.s32 $_tile_overlayer_lowered  }
0x9b: {  	s22 =	simm.s32 $0x1BFF;
	s21 =	sshll.u32 s6, $0x1;
	s3 =	sadd.s32 s4, s19  }
0x9c: {  	s7 =	simm.s32 $0x0;
	s20 =	sshll.u32 s5, $0x1;
	s5 =	sadd.s32 s21, s3  }
0x9d: {  	[timem:s7], [sflag:s22] =	dma.local [hbm:s5], s20  }
0x9e: {  	_ =	swait.ge [sflag:s22], s20  }
0x9f: {  	s4 =	ssub.s32 $0x0, s20;
	[sflag:s22] =	ssyncset.done $0x0  }
0xa0: {  	[sflag:s22] =	ssyncadd.s32 s4;
	_ =	sdelay $0x1  }
0xa1: {  	s23 =	simm.s32 $0x1B8B  }
0xa2: {  	_ =	swait.ge [sflag:s23], $0x1  }
0xa3: {  	[sflag:s23] =	ssyncset.done $0x0  }
0xa4: {  	s25 =	simm.s32 $0x1B8E;
	s24 =	sld [smem:$0x3FFE];
	[sflag:s23] =	ssyncadd.s32 $0xFFFFFFFF  }
0xa5: {  	s26 =	simm.s32 $execute0_lowered;
	[smem:$0x3FD2] =	sst s25  }
0xa6: {  	s5 =	sshll.u32 s26, $0x1;
	_ =	strace $0x8000004C;
	[dreg:$0x1] =	wrdreg $0xFFFFFFFF  }
0xa7: {  	s28 =	simm.s32 $_size_execute0_lowered;
	s3 =	sadd.s32 s3, s5;
	[dreg:$0x0] =	wrdreg $0x0  }
0xa8: {  	s5 =	sshll.u32 s28, $0x1;
	[dreg:$0x2] =	wrdreg s3  }
0xa9: {  	[dreg:$0x3] =	wrdreg s5  }
0xaa: {  	[dreg:$0x4] =	wrdreg $0xC0  }
0xab: {  	_ =	task [dreg:s7], $0x5FFFF  }
0xac: {  	[dreg:$0x1] =	wrdreg $0xFFFFFFFF  }
0xad: {  	[dreg:$0x0] =	wrdreg $0x60  }
0xae: {  	[dreg:$0x2] =	wrdreg s2  }
0xaf: {  	[dreg:$0x3] =	wrdreg s24  }
0xb0: {  	[dreg:$0x4] =	wrdreg $0x32000  }
0xb1: {  	[dreg:$0x5] =	wrdreg $0x9  }
0xb2: {  	_ =	task.clear_ibuf [dreg:s7], $0x6FFFF;
	_ =	strace $0x9000004C  }
0xb3: {  	s29 =	simm.s32 $0x9;
	_ =	strace $0x8000004E  }
0xb4: {  	_ =	swait.ge [sflag:s29], $0x1  }
0xb5: {  	[sflag:s29] =	ssyncadd.s32 $0xFFFFFFFF  }
0xb6: {  	_ =	strace $0x9000004E  }
0xb7: {  	_ =	sfence  }
0xb8: {  	s30 =	sld [smem:$0x0];
	_ =	sdelay $0x2  }
0xb9: {  	s31 =	sshll.u32 s1, $0xD;
	s1 =	sshrl.u32 s1, $0x2  }
0xba: {  	s3 =	sand.u32 $0x4000, s31;
	s1 =	sadd.s32 s1, s30  }
0xbb: {  	s0 =	sor.u32 s3, s0;
	s1 =	sshll.u32 s1, $0x11  }
0xbc: {  	s0 =	sor.u32 s1, s0  }
0xbd: {  	s0 =	sadd.s32 $0x8F2B, s0  }
0xbe: {  	[sflag:s0] =	ssyncadd.remote.s32 $0x1  }
0xbf: {  	_ =	sfence.sel $0xFFFF  }
0xc0: {  	[dreg:$0x0] =	wrdreg $0xFFFFFFFF;
	(pc) =	sbr.abs _section_cstart, $3  }
0xc1: {  	[dreg:$0x1] =	wrdreg $0xFFFFFFFF  }
0xc2: {  	_ =	task.clear_ibuf [dreg:s7], $0x2FFFF;
	_ =	strace $0x9FFFFFFF  }
0xc3: {  	(tm) =	ssettm $0x7FFFFFFF  }
tec
execute0_lowered:
.L_overlay_start_1:
0x0: {  	(tag) =	ssettag $0x1  }
0x1: {  	s1 =	rddreg [dreg:$0x0]  }
0x2: {  	s0 =	rddreg [dreg:$0x1]  }
0x3: {  	s2 =	rddreg [dreg:$0x2];
	s3 =	srdreg.scid  }
0x4: {  	s4 =	simm.s32 $0x0;
	s10 =	stileid.u32;
	s28 =	simm.s32 $0x100  }
0x5: {  	s29 =	simm.s32 $0x1;
	s30 =	simm.s32 $0x30;
	s6 =	smul.u32 $0x13C00, s10  }
0x6: {  	s31 =	simm.s32 $0x2;
	s3 =	sand.u32 $0x1, s3;
	s17 =	smul.u32 $0x4F000, s10  }
0x7: {  	[smem:$0x7FF] =	sst s4;
	s8 =	sadd.s32 $0x2600, s0;
	s26 =	smul.u32 $0xD400, s10  }
0x8: {  	s5 =	smul.u32 $0x13C000, s3;
	_ =	strace $0x8000004D;
	s7 =	sshll.u32 s3, $0x4  }
0x9: {  	s9 =	ssub.s32 $0x2, s3;
	s24 =	smul.u32 $0xD4000, s3;
	s16 =	sor.u32 s10, s7  }
0xa: {  	s18 =	sshrl.u32 s17, $0x2;
	s19 =	sshrl.u32 s9, $0x1;
	s10 =	simm.s32 $0x0  }
0xb: {  	s5 =	sadd.s32 s6, s5;
	s6 =	smul.u32 $0xD400, s16;
	s9 =	ssub.s32 s9, s19  }
0xc: {  	s5 =	sshrl.u32 s5, $0x3;
	s21 =	smax.u32 s9, $0x1;
	s9 =	simm.s32 $0x180  }
0xd: {  	s0 =	sadd.s32 s5, s0;
	s5 =	sadd.s32 s18, s2;
	s6 =	sshrl.u32 s6, $0x3  }
0xe: {  	[dreg:$0x7] =	wrdreg s21;
	s20 =	sadd.s32 $0x13800, s5;
	s7 =	sadd.s32 s8, s6  }
0xf: {  	s0 =	sadd.s32 $0x37600, s0;
	s22 =	sadd.s32 $0x1800, s5;
	s23 =	sadd.s32 $0x3000, s5  }
0x10: {  	s25 =	sadd.s32 $0x4800, s5;
	s14 =	sadd.s32 $0x6000, s5;
	[dreg:$0x4] =	wrdreg s20  }
0x11: {  	s15 =	sadd.s32 $0x7800, s5;
	s16 =	sadd.s32 $0x9000, s5;
	[dreg:$0x6] =	wrdreg s0  }
0x12: {  	s17 =	sadd.s32 $0xA800, s5;
	s18 =	sadd.s32 $0xC000, s5;
	[dreg:$0x8] =	wrdreg s22  }
0x13: {  	s19 =	sadd.s32 $0xD800, s5;
	s21 =	sadd.s32 $0x10800, s5;
	[dreg:$0x9] =	wrdreg s23  }
0x14: {  	s6 =	sadd.s32 $0x20, s7;
	[dreg:$0xa] =	wrdreg s25;
	s0 =	sadd.s32 s26, s24  }
0x15: {  	s20 =	sadd.s32 $0xF000, s5;
	s22 =	sadd.s32 $0x12000, s5;
	s25 =	simm.s32 $0x200  }
0x16: {  	s26 =	simm.s32 $0x5;
	s3 =	sor.u32 $0x300, s0;
	s0 =	sor.u32 $0x200, s0  }
0x17: {  	[dreg:$0x5] =	wrdreg s6;
	s3 =	sshrl.u32 s3, $0x3;
	s0 =	sshrl.u32 s0, $0x3  }
0x18: {  	s6 =	simm.s32 $0x80;
	s23 =	sadd.s32 s3, s8;
	s24 =	sadd.s32 s0, s8  }
0x19: {  	v0 =	vimm.f32 $0.0e+00;
	s0 =	simm.s32 $0x3;
	s3 =	simm.s32 $0x1A00;
	s8 =	simm.s32 $0x4  }
.LBB2_1:
0x1a: {  	s11 =	simm.s32 $0x0;
	s12 =	simm.s32 $0x200  }
.LBB2_2:
0x1b: {  	p0 =	sne.s32 s12, $0x5E00;
	[tilespmem:s11+$0x270] =	vst v0  }
0x1c: {  	[tilespmem:s11+$0x200] =	vst v0  }
0x1d: {  	[tilespmem:s11+$0x210] =	vst v0  }
.Ltmp0:
0x1e: {  	[tilespmem:s11+$0x220] =	vst v0;
	(pc) =	sbr.rel @p0 .LBB2_2-.Ltmp0, $4  }
0x1f: {  	[tilespmem:s11+$0x230] =	vst v0  }
0x20: {  	[tilespmem:s11+$0x240] =	vst v0  }
0x21: {  	[tilespmem:s11+$0x250] =	vst v0  }
0x22: {  	[tilespmem:s11+$0x260] =	vst v0;
	s11 =	sshra.s32 s12, $0x2;
	s12 =	sadd.s32 $0x200, s12  }
0x23: {  	[tilespmem:s11+$0x270] =	vst v0  }
0x24: {  	[tilespmem:s11+$0x200] =	vst v0  }
0x25: {  	[tilespmem:s11+$0x210] =	vst v0  }
0x26: {  	[tilespmem:s11+$0x220] =	vst v0  }
0x27: {  	[tilespmem:s11+$0x230] =	vst v0  }
0x28: {  	[tilespmem:s11+$0x240] =	vst v0  }
0x29: {  	[tilespmem:s11+$0x250] =	vst v0  }
0x2a: {  	[tilespmem:s11+$0x260] =	vst v0  }
0x2b: {  	[spmem:s5] =	stream.linear.scatter [tilespmem:s25], [sflag:$0x5], $0x1800, $0x38;
	[tilespmem:$0x16E00] =	vst v63  }
0x2c: {  	_ =	swait.ge [sflag:s26], $0x1800  }
0x2d: {  	[sflag:s26] =	ssyncset.done $0x0  }
0x2e: {  	s13 =	rddreg [dreg:$0x8];
	[sflag:s26] =	ssyncadd.s32 $0xFFFFE800  }
0x2f: {  	[spmem:s13] =	stream.linear.scatter [tilespmem:s25], [sflag:$0x5], $0x1800, $0x38;
	[tilespmem:$0x16E00] =	vst v63  }
0x30: {  	_ =	swait.ge [sflag:s26], $0x1800  }
0x31: {  	[sflag:s26] =	ssyncset.done $0x0  }
0x32: {  	s12 =	rddreg [dreg:$0x9];
	[sflag:s26] =	ssyncadd.s32 $0xFFFFE800  }
0x33: {  	[spmem:s12] =	stream.linear.scatter [tilespmem:s25], [sflag:$0x5], $0x1800, $0x38;
	[tilespmem:$0x16E00] =	vst v63  }
0x34: {  	_ =	swait.ge [sflag:s26], $0x1800  }
0x35: {  	[sflag:s26] =	ssyncset.done $0x0  }
0x36: {  	s13 =	rddreg [dreg:$0xa];
	[sflag:s26] =	ssyncadd.s32 $0xFFFFE800  }
0x37: {  	[spmem:s13] =	stream.linear.scatter [tilespmem:s25], [sflag:$0x5], $0x1800, $0x38;
	[tilespmem:$0x16E00] =	vst v63  }
0x38: {  	_ =	swait.ge [sflag:s26], $0x1800  }
0x39: {  	[sflag:s26] =	ssyncset.done $0x0  }
0x3a: {  	[sflag:s26] =	ssyncadd.s32 $0xFFFFE800  }
0x3b: {  	[spmem:s14] =	stream.linear.scatter [tilespmem:s25], [sflag:$0x5], $0x1800, $0x38;
	[tilespmem:$0x16E00] =	vst v63  }
0x3c: {  	_ =	swait.ge [sflag:s26], $0x1800  }
0x3d: {  	[sflag:s26] =	ssyncset.done $0x0  }
0x3e: {  	[sflag:s26] =	ssyncadd.s32 $0xFFFFE800  }
0x3f: {  	[spmem:s15] =	stream.linear.scatter [tilespmem:s25], [sflag:$0x5], $0x1800, $0x38;
	[tilespmem:$0x16E00] =	vst v63  }
0x40: {  	_ =	swait.ge [sflag:s26], $0x1800  }
0x41: {  	[sflag:s26] =	ssyncset.done $0x0  }
0x42: {  	[sflag:s26] =	ssyncadd.s32 $0xFFFFE800  }
0x43: {  	[spmem:s16] =	stream.linear.scatter [tilespmem:s25], [sflag:$0x5], $0x1800, $0x38;
	[tilespmem:$0x16E00] =	vst v63  }
0x44: {  	_ =	swait.ge [sflag:s26], $0x1800  }
0x45: {  	[sflag:s26] =	ssyncset.done $0x0  }
0x46: {  	[sflag:s26] =	ssyncadd.s32 $0xFFFFE800  }
0x47: {  	[spmem:s17] =	stream.linear.scatter [tilespmem:s25], [sflag:$0x5], $0x1800, $0x38;
	[tilespmem:$0x16E00] =	vst v63  }
0x48: {  	_ =	swait.ge [sflag:s26], $0x1800  }
0x49: {  	[sflag:s26] =	ssyncset.done $0x0  }
0x4a: {  	[sflag:s26] =	ssyncadd.s32 $0xFFFFE800  }
0x4b: {  	[spmem:s18] =	stream.linear.scatter [tilespmem:s25], [sflag:$0x5], $0x1800, $0x38;
	[tilespmem:$0x16E00] =	vst v63  }
0x4c: {  	_ =	swait.ge [sflag:s26], $0x1800  }
0x4d: {  	[sflag:s26] =	ssyncset.done $0x0  }
0x4e: {  	[sflag:s26] =	ssyncadd.s32 $0xFFFFE800  }
0x4f: {  	[spmem:s19] =	stream.linear.scatter [tilespmem:s25], [sflag:$0x5], $0x1800, $0x38;
	[tilespmem:$0x16E00] =	vst v63  }
0x50: {  	_ =	swait.ge [sflag:s26], $0x1800  }
0x51: {  	[sflag:s26] =	ssyncset.done $0x0  }
0x52: {  	[sflag:s26] =	ssyncadd.s32 $0xFFFFE800  }
0x53: {  	[spmem:s20] =	stream.linear.scatter [tilespmem:s25], [sflag:$0x5], $0x1800, $0x38;
	[tilespmem:$0x16E00] =	vst v63  }
0x54: {  	_ =	swait.ge [sflag:s26], $0x1800  }
0x55: {  	[sflag:s26] =	ssyncset.done $0x0  }
0x56: {  	[sflag:s26] =	ssyncadd.s32 $0xFFFFE800  }
0x57: {  	[spmem:s21] =	stream.linear.scatter [tilespmem:s25], [sflag:$0x5], $0x1800, $0x38;
	[tilespmem:$0x16E00] =	vst v63  }
0x58: {  	_ =	swait.ge [sflag:s26], $0x1800  }
0x59: {  	[sflag:s26] =	ssyncset.done $0x0  }
0x5a: {  	[sflag:s26] =	ssyncadd.s32 $0xFFFFE800  }
0x5b: {  	[spmem:s22] =	stream.linear.scatter [tilespmem:s25], [sflag:$0x5], $0x1800, $0x38;
	[tilespmem:$0x16E00] =	vst v63  }
0x5c: {  	_ =	swait.ge [sflag:s26], $0x1800  }
0x5d: {  	[sflag:s26] =	ssyncset.done $0x0  }
0x5e: {  	s12 =	rddreg [dreg:$0x4];
	[sflag:s26] =	ssyncadd.s32 $0xFFFFE800  }
0x5f: {  	[spmem:s12] =	stream.linear.scatter [tilespmem:s25], [sflag:$0x5], $0x400, $0x38;
	[tilespmem:$0x16E00] =	vst v63  }
0x60: {  	_ =	swait.ge [sflag:s26], $0x400  }
0x61: {  	[sflag:s26] =	ssyncset.done $0x0  }
0x62: {  	[sflag:s26] =	ssyncadd.s32 $0xFFFFFC00  }
0x63: {  	s13 =	simm.s32 $0x0;
	[bflag:$0x0] =	sbarrier.arrive $0xFFFF  }
0x64: {  	[tilespmem:s13], [sflag:$0x1] =	stream.linear.gather [hbm4b:s7+s13], $0x100, $0x38;
	[tilespmem:$0x16E00] =	vst v63  }
0x65: {  	s12 =	rddreg [dreg:$0x5]  }
0x66: {  	[tilespmem:s28], [sflag:$0x2] =	stream.linear.gather [hbm4b:s12+s13], $0x100, $0x38;
	[tilespmem:$0x16E00] =	vst v63  }
0x67: {  	_ =	swait.ge [sflag:s29], $0x100  }
0x68: {  	[sflag:s29] =	ssyncset.done $0x0  }
0x69: {  	[sflag:s29] =	ssyncadd.s32 $0xFFFFFF00  }
0x6a: {  	[tilespmem:s25], [sflag:$0x3] =	stream.indirect.gather [hbm4b:s1+s30], $0x80, s13, s30, $0xb8;
	[tilespmem:$0x16E00] =	vst v63  }
0x6b: {  	_ =	swait.ge [sflag:s31], $0x100  }
0x6c: {  	[sflag:s31] =	ssyncset.done $0x0  }
0x6d: {  	[sflag:s31] =	ssyncadd.s32 $0xFFFFFF00  }
0x6e: {  	_ =	swait.ge [sflag:s0], $0x1800  }
0x6f: {  	[sflag:s0] =	ssyncset.done $0x0  }
0x70: {  	[sflag:s0] =	ssyncadd.s32 $0xFFFFE800  }
0x71: {  	[tilespmem:s3], [sflag:$0x4] =	stream.indirect.gather [hbm4b:s1+s30], $0x80, s28, s30, $0xb8;
	[tilespmem:$0x16E00] =	vst v63  }
0x72: {  	_ = 	snop  }
0x73: {  	[spmem:s2] =	stream.indirect.scatter.add.f32 [tilespmem:s25], [sflag:$0x5], $0x80, s6, s30, $0xb8;
	[tilespmem:$0x16E00] =	vst v63  }
0x74: {  	_ =	swait.ge [sflag:s26], $0x1800  }
0x75: {  	[sflag:s26] =	ssyncset.done $0x0  }
0x76: {  	s13 =	sadd.s32 $0x0, s24;
	[sflag:s26] =	ssyncadd.s32 $0xFFFFE800  }
0x77: {  	[tilespmem:s4], [sflag:$0x1] =	stream.linear.gather [hbm4b:s13+s4], $0x100, $0x38;
	[tilespmem:$0x16E00] =	vst v63  }
0x78: {  	_ =	swait.ge [sflag:s8], $0x1800  }
0x79: {  	[sflag:s8] =	ssyncset.done $0x0  }
0x7a: {  	[sflag:s8] =	ssyncadd.s32 $0xFFFFE800  }
0x7b: {  	_ =	swait.ge [sflag:s29], $0x100  }
0x7c: {  	[sflag:s29] =	ssyncset.done $0x0  }
0x7d: {  	[sflag:s29] =	ssyncadd.s32 $0xFFFFFF00  }
0x7e: {  	[tilespmem:s25], [sflag:$0x3] =	stream.indirect.gather [hbm4b:s1+s30], $0x80, s4, s30, $0xb8;
	[tilespmem:$0x16E00] =	vst v63  }
0x7f: {  	_ = 	snop  }
0x80: {  	[spmem:s2] =	stream.indirect.scatter.add.f32 [tilespmem:s3], [sflag:$0x5], $0x80, s9, s30, $0xb8;
	[tilespmem:$0x16E00] =	vst v63  }
0x81: {  	_ =	swait.ge [sflag:s26], $0x1800  }
0x82: {  	[sflag:s26] =	ssyncset.done $0x0  }
0x83: {  	s11 =	simm.s32 $0x40;
	s12 =	sadd.s32 $0x0, s23;
	[sflag:s26] =	ssyncadd.s32 $0xFFFFE800  }
.LBB2_4:
0x84: {  	[tilespmem:s28], [sflag:$0x2] =	stream.linear.gather [hbm4b:s12+s4], $0x100, $0x38;
	[tilespmem:$0x16E00] =	vst v63  }
0x85: {  	s12 =	smov.u32 s11  }
0x86: {  	p0 =	sne.s32 s11, $0x1A00;
	s11 =	sadd.s32 $0x40, s11;
	_ =	swait.ge [sflag:s31], $0x100  }
0x87: {  	[sflag:s31] =	ssyncset.done $0x0  }
0x88: {  	[sflag:s31] =	ssyncadd.s32 $0xFFFFFF00  }
0x89: {  	_ =	swait.ge [sflag:s0], $0x1800  }
0x8a: {  	[sflag:s0] =	ssyncset.done $0x0  }
0x8b: {  	[sflag:s0] =	ssyncadd.s32 $0xFFFFE800  }
0x8c: {  	[tilespmem:s3], [sflag:$0x4] =	stream.indirect.gather [hbm4b:s1+s30], $0x80, s28, s30, $0xb8;
	[tilespmem:$0x16E00] =	vst v63  }
0x8d: {  	_ = 	snop  }
0x8e: {  	[spmem:s2] =	stream.indirect.scatter.add.f32 [tilespmem:s25], [sflag:$0x5], $0x80, s6, s30, $0xb8;
	[tilespmem:$0x16E00] =	vst v63  }
0x8f: {  	_ =	swait.ge [sflag:s26], $0x1800  }
0x90: {  	[sflag:s26] =	ssyncset.done $0x0  }
0x91: {  	s13 =	sadd.s32 s12, s24;
	[sflag:s26] =	ssyncadd.s32 $0xFFFFE800  }
0x92: {  	[tilespmem:s4], [sflag:$0x1] =	stream.linear.gather [hbm4b:s13+s4], $0x100, $0x38;
	[tilespmem:$0x16E00] =	vst v63  }
0x93: {  	_ =	swait.ge [sflag:s8], $0x1800  }
0x94: {  	[sflag:s8] =	ssyncset.done $0x0  }
0x95: {  	[sflag:s8] =	ssyncadd.s32 $0xFFFFE800  }
0x96: {  	_ =	swait.ge [sflag:s29], $0x100  }
0x97: {  	[sflag:s29] =	ssyncset.done $0x0  }
0x98: {  	[sflag:s29] =	ssyncadd.s32 $0xFFFFFF00  }
0x99: {  	[tilespmem:s25], [sflag:$0x3] =	stream.indirect.gather [hbm4b:s1+s30], $0x80, s4, s30, $0xb8;
	[tilespmem:$0x16E00] =	vst v63  }
.Ltmp1:
0x9a: {  	(pc) =	sbr.rel @p0 .LBB2_4-.Ltmp1, $4  }
0x9b: {  	[spmem:s2] =	stream.indirect.scatter.add.f32 [tilespmem:s3], [sflag:$0x5], $0x80, s9, s30, $0xb8;
	[tilespmem:$0x16E00] =	vst v63  }
0x9c: {  	_ =	swait.ge [sflag:s26], $0x1800  }
0x9d: {  	[sflag:s26] =	ssyncset.done $0x0  }
0x9e: {  	s12 =	sadd.s32 s12, s23;
	[sflag:s26] =	ssyncadd.s32 $0xFFFFE800  }
0x9f: {  	[tilespmem:s28], [sflag:$0x2] =	stream.linear.gather [hbm4b:s12+s4], $0x100, $0x38;
	[tilespmem:$0x16E00] =	vst v63  }
0xa0: {  	_ =	swait.ge [sflag:s0], $0x1800  }
0xa1: {  	[sflag:s0] =	ssyncset.done $0x0  }
0xa2: {  	[sflag:s0] =	ssyncadd.s32 $0xFFFFE800  }
0xa3: {  	_ =	swait.ge [sflag:s31], $0x100  }
0xa4: {  	[sflag:s31] =	ssyncset.done $0x0  }
0xa5: {  	s11 =	stileid.u32;
	[sflag:s31] =	ssyncadd.s32 $0xFFFFFF00  }
0xa6: {  	s11 =	sshll.u32 s11, $0x6;
	[bflag:$0x0] =	sbarrier.arrive $0xFFFF  }
0xa7: {  	s12 =	sshrl.u32 s5, $0x3;
	s11 =	sor.u32 $0x1C05, s11;
	s13 =	rddreg [dreg:$0x6]  }
0xa8: {  	[hbm:s13], [sflag:s11] =	dma.local [spmem:s12], $0x2780  }
0xa9: {  	_ =	swait.ge [sflag:s26], $0x2780  }
0xaa: {  	s10 =	sadd.s32 $0x1, s10;
	s13 =	rddreg [dreg:$0x7]  }
0xab: {  	p0 =	sne.s32 s10, s13  }
.Ltmp2:
0xac: {  	_ = 	snop;
	(pc) =	sbr.rel @p0 .LBB2_1-.Ltmp2, $3  }
0xad: {  	_ =	sdelay $0x1  }
0xae: {  	[sflag:s26] =	ssyncset.done $0x0  }
0xaf: {  	[sflag:s26] =	ssyncadd.s32 $0xFFFFD880  }
0xb0: {  	_ =	sfence.sel $0x180000  }
0xb1: {  	[bflag:$0x0] =	sbarrier.arrive $0xFFFF  }
0xb2: {  	_ =	strace $0x9000004D  }
0xb3: {  	s0 =	stileid.u32;
	[bflag:$0x2] =	sbarrier.arrive $0xFFFF  }
0xb4: {  	p0 =	sne.s32 s0, $0x0;
	s0 =	rddreg [dreg:$0x3]  }
0xb5: {  	s0 =	sadd.s32 @!p0 $0x100000, s0  }
0xb6: {  	[sflag:s0] =	ssyncadd.tile.s32 @!p0 $0x1;
	_ =	shalt  }
.Lfunc_end2:
_tile_overlayer_lowered:
.L_overlay_start_2:
0xb7: {  	(tag) =	ssettag $0x2  }
0xb8: {  	s0 =	rddreg [dreg:$0x0];
	s2 =	stileid.u32  }
0xb9: {  	s1 =	rddreg [dreg:$0x1];
	p0 =	sne.s32 s2, $0x0  }
0xba: {  	s3 =	rddreg [dreg:$0x2];
	[bflag:$0x3] =	sbarrier.arrive $0xFFFF;
	s2 =	simm.s32 @!p0 $0x1C05  }
0xbb: {  	[timem:s3], [sflag:s2] =	dma.local @!p0 [hbm:s0], s1  }
0xbc: {  	s0 =	simm.s32 @!p0 $0x5  }
0xbd: {  	_ =	swait.ge @!p0 [sflag:s0], s1  }
0xbe: {  	s1 =	ssub.s32 @!p0 $0x0, s1;
	[sflag:s0] =	ssyncset.done @!p0 $0x0  }
0xbf: {  	[sflag:s0] =	ssyncadd.s32 @!p0 s1  }
0xc0: {  	[bflag:$0x3] =	sbarrier.arrive $0xFFFF  }
0xc1: {  	_ =	shalt  }

// kernel: kernel.8.cloned.1.call-start
scs
__scs_entry_jumppad:
0x0: {  	(pc) =	sbr.rel $0x88, $3  }
0x1: {  	(tag) =	ssettag $0x0;
	lr =	simm.s32 $0x1  }
0x2: {  	[smem:$0x3F9B] =	sst lr;
	_ =	strace $0xD0000000  }
0x3: {  	_ = 	snop  }
0x4: {  	_ = 	snop  }
0x5: {  	_ = 	snop  }
0x6: {  	_ = 	snop  }
0x7: {  	_ = 	snop  }
__scs_overlays_trampoline_lowered:
0x8: {  	[smem:$0x3FAA] =	sst s0  }
0x9: {  	[smem:$0x3FAB] =	sst s1  }
0xa: {  	[smem:$0x3FAC] =	sst s2  }
0xb: {  	[smem:$0x3FAD] =	sst s3  }
0xc: {  	[smem:$0x3FAE] =	sst s4  }
0xd: {  	[smem:$0x3FAF] =	sst s5  }
0xe: {  	[smem:$0x3FB0] =	sst s6  }
0xf: {  	[smem:$0x3FB1] =	sst s7  }
0x10: {  	[smem:$0x3FB2] =	sst s8  }
0x11: {  	[smem:$0x3FB3] =	sst s9;
	s0 =	simm.s32 @!p0 $0x0  }
0x12: {  	s1 =	sld [smem:$0x3F99];
	s0 =	simm.s32 @p0 $0x1  }
0x13: {  	[smem:$0x3FB4] =	sst s0;
	s0 =	simm.s32 @!p1 $0x0  }
0x14: {  	s2 =	sld [smem:$0x3F98];
	s0 =	simm.s32 @p1 $0x1  }
0x15: {  	[smem:$0x3FB5] =	sst s0;
	s0 =	simm.s32 @!p2 $0x0  }
0x16: {  	s3 =	sld [smem:$0x3FDB];
	s0 =	simm.s32 @p2 $0x1  }
0x17: {  	s4 =	simm.s32 $0x1BF5;
	[smem:$0x3FB7] =	sst s0  }
0x18: {  	s0 =	sld [smem:$0x3F9A];
	_ =	swait.ge [sflag:s4], $0x0  }
0x19: {  	s7 =	sld [smem:$0x3F9B]  }
0x1a: {  	s8 =	sadd.s32 $0xFFFFE003, lr  }
0x1b: {  	s9 =	sadd.s32 $0xFFFFFEF7, lr;
	s5 =	simm.s32 $0xFFFFFFFF;
	p2 =	slt.u32 s8, $0xFFFFF086  }
0x1c: {  	p1 =	slt.u32 s9, $0xF7A;
	s5 =	simm.s32 @!p2 $0x0  }
0x1d: {  	s5 =	simm.s32 @p1 $0x1;
	p0 =	seq.s32 s7, s2  }
0x1e: {  	s7 =	smul.u32 @!p0 $0xF7A, s2;
	p2 =	seq.s32 @!p0 s5, $0x0  }
0x1f: {  	s9 =	smul.u32 $0xF7A, s1;
	s8 =	simm.s32 @!p0 $0x1BF5;
	p2 =	por !p2, p0  }
0x20: {  	[sflag:s8] =	ssyncset.s32 @!p0 $0xFFFFF086;
	s6 =	sadd.s32 @!p0 s3, s7;
	s7 =	simm.s32 @!p0 $0x108  }
0x21: {  	s3 =	sadd.s32 s3, s9;
	s6 =	sadd.s32 @!p0 $0x88, s6;
	s7 =	simm.s32 @p2 $0x1082  }
0x22: {  	[simem:s7], [sflag:s8] =	dma.local @!p0 [hbm:s6], $0xF7A  }
0x23: {  	s9 =	sor.u32 $0xD0000000, s2;
	s6 =	simm.s32 $0x108;
	_ =	swait.ge @!p0 [sflag:s8], $0x0  }
0x24: {  	s3 =	sadd.s32 $0x88, s3;
	s6 =	simm.s32 @!p1 $0x1082;
	[sflag:s4] =	ssyncset.s32 $0xFFFFF086  }
0x25: {  	[simem:s6], [sflag:s4] =	dma.local [hbm:s3], $0xF7A  }
0x26: {  	[smem:$0x3F9B] =	sst s1;
	(tag) =	ssettag s2;
	_ =	strace s9  }
0x27: {  	s1 =	sld [smem:$0x3FAB]  }
0x28: {  	s2 =	sld [smem:$0x3FAC]  }
0x29: {  	s4 =	sld [smem:$0x3FAE]  }
0x2a: {  	p0 =	seq.s32 s5, $0x0;
	s5 =	sld [smem:$0x3FAF]  }
0x2b: {  	s6 =	sld [smem:$0x3FB0]  }
0x2c: {  	s7 =	sld [smem:$0x3FB1]  }
0x2d: {  	s3 =	simm.s32 $0x108;
	s8 =	sld [smem:$0x3FB2]  }
0x2e: {  	s3 =	simm.s32 @!p0 $0x1082;
	s9 =	sld [smem:$0x3FB3]  }
0x2f: {  	lr =	sadd.s32 s0, s3;
	s0 =	sld [smem:$0x3FAA]  }
0x30: {  	s3 =	sld [smem:$0x3FAD]  }
0x31: {  	[smem:$0x3FB6] =	sst s10  }
0x32: {  	s10 =	sld [smem:$0x3FB4];
	_ =	sdelay $0x3  }
0x33: {  	p0 =	seq.s32 s10, $0x1;
	s10 =	sld [smem:$0x3FB6];
	_ =	sdelay $0x3  }
0x34: {  	[smem:$0x3FB6] =	sst s10  }
0x35: {  	s10 =	sld [smem:$0x3FB5];
	_ =	sdelay $0x3  }
0x36: {  	p1 =	seq.s32 s10, $0x1;
	s10 =	sld [smem:$0x3FB6];
	_ =	sdelay $0x3  }
0x37: {  	[smem:$0x3FB6] =	sst s10  }
0x38: {  	s10 =	sld [smem:$0x3FB7]  }
0x39: {  	_ = 	snop;
	(pc) =	sbr.ind lr, $3  }
0x3a: {  	_ = 	snop  }
0x3b: {  	_ = 	snop  }
0x3c: {  	p2 =	seq.s32 s10, $0x1;
	s10 =	sld [smem:$0x3FB6]  }
0x3d: {  	_ =	shalt  }
0x3e: {  	_ =	shalt  }
0x3f: {  	_ =	shalt  }
0x40: {  	_ =	shalt  }
0x41: {  	_ =	shalt  }
0x42: {  	_ =	shalt  }
0x43: {  	_ =	shalt  }
0x44: {  	_ =	shalt  }
0x45: {  	_ =	shalt  }
0x46: {  	_ =	shalt  }
0x47: {  	_ =	shalt  }
0x48: {  	_ =	shalt  }
0x49: {  	_ =	shalt  }
0x4a: {  	_ =	shalt  }
0x4b: {  	_ =	shalt  }
0x4c: {  	_ =	shalt  }
0x4d: {  	_ =	shalt  }
0x4e: {  	_ =	shalt  }
0x4f: {  	_ =	shalt  }
0x50: {  	_ =	shalt  }
0x51: {  	_ =	shalt  }
0x52: {  	_ =	shalt  }
0x53: {  	_ =	shalt  }
0x54: {  	_ =	shalt  }
0x55: {  	_ =	shalt  }
0x56: {  	_ =	shalt  }
0x57: {  	_ =	shalt  }
0x58: {  	_ =	shalt  }
0x59: {  	_ =	shalt  }
0x5a: {  	_ =	shalt  }
0x5b: {  	_ =	shalt  }
0x5c: {  	_ =	shalt  }
0x5d: {  	_ =	shalt  }
0x5e: {  	_ =	shalt  }
0x5f: {  	_ =	shalt  }
0x60: {  	_ =	shalt  }
0x61: {  	_ =	shalt  }
0x62: {  	_ =	shalt  }
0x63: {  	_ =	shalt  }
0x64: {  	_ =	shalt  }
0x65: {  	_ =	shalt  }
0x66: {  	_ =	shalt  }
0x67: {  	_ =	shalt  }
0x68: {  	_ =	shalt  }
0x69: {  	_ =	shalt  }
0x6a: {  	_ =	shalt  }
0x6b: {  	_ =	shalt  }
0x6c: {  	_ =	shalt  }
0x6d: {  	_ =	shalt  }
0x6e: {  	_ =	shalt  }
0x6f: {  	_ =	shalt  }
0x70: {  	_ =	shalt  }
0x71: {  	_ =	shalt  }
0x72: {  	_ =	shalt  }
0x73: {  	_ =	shalt  }
0x74: {  	_ =	shalt  }
0x75: {  	_ =	shalt  }
0x76: {  	_ =	shalt  }
0x77: {  	_ =	shalt  }
0x78: {  	_ =	shalt  }
0x79: {  	_ =	shalt  }
0x7a: {  	_ =	shalt  }
0x7b: {  	_ =	shalt  }
0x7c: {  	_ =	shalt  }
0x7d: {  	_ =	shalt  }
0x7e: {  	_ =	shalt  }
0x7f: {  	_ =	shalt  }
0x80: {  	_ =	shalt  }
0x81: {  	_ =	shalt  }
0x82: {  	_ =	shalt  }
0x83: {  	_ =	shalt  }
0x84: {  	_ =	shalt  }
0x85: {  	_ =	shalt  }
0x86: {  	_ =	shalt  }
0x87: {  	_ =	shalt  }
.Lfunc_end0:
.L_simem_size_0:
called_computation_lowered:
.L_overlay_start_0:
0x88: {  	s2 =	sld [smem:$0x3FD9]  }
0x89: {  	s3 =	sld [smem:$0x3FFE];
	_ =	sdelay $0x1  }
0x8a: {  	s1 =	srdreg.scid  }
0x8b: {  	s0 =	sand.u32 $0x1, s1  }
0x8c: {  	s17 =	sshll.u32 s0, $0xA;
	s2 =	sadd.s32 s3, s2  }
0x8d: {  	s2 =	sadd.s32 s2, s17  }
0x8e: {  	[smem:$0x3FC2] =	sst s2  }
0x8f: {  	_ = 	snop  }
0x90: {  	s2 =	sld [smem:$0x3FD0];
	(tm) =	ssettm $0x1  }
0x91: {  	s18 =	sld [smem:$0x3FFB];
	_ =	sdelay $0x3  }
0x92: {  	_ =	strace s18  }
0x93: {  	s3 =	sld [smem:$0x3FFC];
	_ =	sdelay $0x3  }
0x94: {  	_ =	strace s3  }
0x95: {  	s3 =	sld [smem:$0x3FFD];
	_ =	sdelay $0x3  }
0x96: {  	_ =	strace s3  }
0x97: {  	_ =	strace $0x8FFFFFFF  }
0x98: {  	s19 =	sld [smem:$0x3FDB];
	_ =	sdelay $0x1  }
0x99: {  	s4 =	simm.s32 $_scs_section_size  }
0x9a: {  	s5 =	simm.s32 $_size__tile_overlayer_lowered;
	s6 =	simm.s32 $_tile_overlayer_lowered  }
0x9b: {  	s22 =	simm.s32 $0x1BFF;
	s21 =	sshll.u32 s6, $0x1;
	s3 =	sadd.s32 s4, s19  }
0x9c: {  	s7 =	simm.s32 $0x0;
	s20 =	sshll.u32 s5, $0x1;
	s5 =	sadd.s32 s21, s3  }
0x9d: {  	[timem:s7], [sflag:s22] =	dma.local [hbm:s5], s20  }
0x9e: {  	_ =	swait.ge [sflag:s22], s20  }
0x9f: {  	s4 =	ssub.s32 $0x0, s20;
	[sflag:s22] =	ssyncset.done $0x0  }
0xa0: {  	[sflag:s22] =	ssyncadd.s32 s4;
	_ =	sdelay $0x1  }
0xa1: {  	s23 =	simm.s32 $0x1B8B  }
0xa2: {  	_ =	swait.ge [sflag:s23], $0x1  }
0xa3: {  	[sflag:s23] =	ssyncset.done $0x0  }
0xa4: {  	s25 =	simm.s32 $0x1B8E;
	s24 =	sld [smem:$0x3FFE];
	[sflag:s23] =	ssyncadd.s32 $0xFFFFFFFF  }
0xa5: {  	s26 =	simm.s32 $execute0_lowered;
	[smem:$0x3FD2] =	sst s25  }
0xa6: {  	s5 =	sshll.u32 s26, $0x1;
	_ =	strace $0x80000046;
	[dreg:$0x1] =	wrdreg $0xFFFFFFFF  }
0xa7: {  	s28 =	simm.s32 $_size_execute0_lowered;
	s3 =	sadd.s32 s3, s5;
	[dreg:$0x0] =	wrdreg $0x0  }
0xa8: {  	s5 =	sshll.u32 s28, $0x1;
	[dreg:$0x2] =	wrdreg s3  }
0xa9: {  	[dreg:$0x3] =	wrdreg s5  }
0xaa: {  	[dreg:$0x4] =	wrdreg $0xC0  }
0xab: {  	_ =	task [dreg:s7], $0x5FFFF  }
0xac: {  	[dreg:$0x1] =	wrdreg $0xFFFFFFFF  }
0xad: {  	[dreg:$0x0] =	wrdreg $0x60  }
0xae: {  	[dreg:$0x2] =	wrdreg s24  }
0xaf: {  	[dreg:$0x3] =	wrdreg s2  }
0xb0: {  	[dreg:$0x4] =	wrdreg $0x9  }
0xb1: {  	_ =	task.clear_ibuf [dreg:s7], $0x5FFFF;
	_ =	strace $0x90000046  }
0xb2: {  	s29 =	simm.s32 $0x9;
	_ =	strace $0x80000048  }
0xb3: {  	_ =	swait.ge [sflag:s29], $0x1  }
0xb4: {  	[sflag:s29] =	ssyncadd.s32 $0xFFFFFFFF  }
0xb5: {  	_ =	strace $0x90000048  }
0xb6: {  	_ =	sfence  }
0xb7: {  	s30 =	sld [smem:$0x0];
	_ =	sdelay $0x2  }
0xb8: {  	s31 =	sshll.u32 s1, $0xD;
	s1 =	sshrl.u32 s1, $0x2  }
0xb9: {  	s3 =	sand.u32 $0x4000, s31;
	s1 =	sadd.s32 s1, s30  }
0xba: {  	s0 =	sor.u32 s3, s0;
	s1 =	sshll.u32 s1, $0x11  }
0xbb: {  	s0 =	sor.u32 s1, s0  }
0xbc: {  	s0 =	sadd.s32 $0x8F2B, s0  }
0xbd: {  	[sflag:s0] =	ssyncadd.remote.s32 $0x1  }
0xbe: {  	_ =	sfence.sel $0xFFFF  }
0xbf: {  	[dreg:$0x0] =	wrdreg $0xFFFFFFFF;
	(pc) =	sbr.abs _section_cstart, $3  }
0xc0: {  	[dreg:$0x1] =	wrdreg $0xFFFFFFFF  }
0xc1: {  	_ =	task.clear_ibuf [dreg:s7], $0x2FFFF;
	_ =	strace $0x9FFFFFFF  }
0xc2: {  	(tm) =	ssettm $0x7FFFFFFF  }
0xc3: {  	_ =	shalt  }
tec
execute0_lowered:
.L_overlay_start_1:
0x0: {  	(tag) =	ssettag $0x1  }
0x1: {  	s0 =	srdreg.scid;
	s3 =	rddreg [dreg:$0x0]  }
0x2: {  	s5 =	rddreg [dreg:$0x1];
	s1 =	stileid.u32;
	s2 =	simm.s32 $0x0  }
0x3: {  	s12 =	simm.s32 $0x2;
	s13 =	simm.s32 $0x80;
	s14 =	simm.s32 $0x400  }
0x4: {  	s15 =	simm.s32 $0x3;
	s4 =	sand.u32 $0x1, s0;
	s0 =	rddreg [dreg:$0x2]  }
0x5: {  	s16 =	simm.s32 $0x0;
	[smem:$0x7FF] =	sst s2;
	s8 =	sadd.s32 $0x2600, s3  }
0x6: {  	s10 =	sshll.u32 s1, $0x7;
	s11 =	smul.u32 $0xD400, s1;
	s6 =	sshll.u32 s4, $0x4  }
0x7: {  	_ =	strace $0x80000047;
	s25 =	ssub.s32 $0x2, s4;
	s4 =	smul.u32 $0xD4000, s4  }
0x8: {  	s28 =	sand.u32 $0x380, s10;
	s6 =	sor.u32 s1, s6;
	s9 =	sshrl.u32 s25, $0x1  }
0x9: {  	s7 =	smul.u32 $0xD400, s6;
	s6 =	sshrl.u32 s6, $0x3;
	s29 =	sadd.s32 s11, s4  }
0xa: {  	s9 =	ssub.s32 s25, s9;
	s6 =	smul.u32 $0x13C00, s6;
	s30 =	sor.u32 $0x300, s29  }
0xb: {  	s11 =	sor.u32 $0x200, s29;
	s26 =	sshrl.u32 s7, $0x3;
	s10 =	sshrl.u32 s30, $0x3  }
0xc: {  	s31 =	sshrl.u32 s11, $0x3;
	s11 =	simm.s32 $0x200;
	s3 =	sadd.s32 s8, s26  }
0xd: {  	s6 =	sor.u32 s28, s6;
	s7 =	sadd.s32 s10, s8;
	s8 =	sadd.s32 s31, s8  }
0xe: {  	s10 =	simm.s32 $0x1;
	s4 =	sadd.s32 $0x20, s3;
	s6 =	sshrl.u32 s6, $0x3  }
0xf: {  	v0 =	vimm.f32 $0.0e+00;
	v1 =	vimm.f32 $1.000000000e+00;
	s5 =	sadd.s32 s5, s6;
	s6 =	smax.u32 s9, $0x1;
	s9 =	simm.s32 $0x100  }
.LBB2_1:
0x10: {  	s17 =	simm.s32 $0x40;
	s18 =	simm.s32 $0x0  }
.LBB2_2:
0x11: {  	p0 =	sne.s32 s17, $0x9DC0;
	[tilespmem:s18+$0x200] =	vst v0;
	s18 =	smov.u32 s17;
	s17 =	sadd.s32 $0x40, s17  }
.Ltmp0:
0x12: {  	(pc) =	sbr.rel @p0 .LBB2_2-.Ltmp0, $2  }
0x13: {  	_ =	sdelay $0x2  }
0x14: {  	s18 =	sshra.s32 s18, $0x2  }
0x15: {  	[tilespmem:s18+$0x200] =	vst v0;
	s17 =	simm.s32 $0x0  }
0x16: {  	[tilespmem:s17], [sflag:$0x1] =	stream.linear.gather [hbm4b:s3+s17], $0x100, $0x38;
	[tilespmem:$0x2980] =	vst v63  }
0x17: {  	_ = 	snop  }
0x18: {  	[tilespmem:s9], [sflag:$0x2] =	stream.linear.gather [hbm4b:s4+s17], $0x100, $0x38;
	[tilespmem:$0x2980] =	vst v63  }
.LBB2_4:
0x19: {  	_ =	swait.ge [sflag:s10], $0x100  }
0x1a: {  	[sflag:s10] =	ssyncset.done $0x0  }
0x1b: {  	[sflag:s10] =	ssyncadd.s32 $0xFFFFFF00  }
0x1c: {  	v2 =	vld [tilespmem:$0x80];
	_ =	sdelay $0x7  }
0x1d: {  	[tilespmem:v2+s11+$0x0] =	vst.idx.add.f32.msk $0xffff, v1  }
0x1e: {  	v2 =	vld [tilespmem:$0x90];
	_ =	sdelay $0x7  }
0x1f: {  	[tilespmem:v2+s11+$0x0] =	vst.idx.add.f32.msk $0xffff, v1  }
0x20: {  	v2 =	vld [tilespmem:$0xA0];
	_ =	sdelay $0x7  }
0x21: {  	s18 =	sadd.s32 s17, s8;
	[tilespmem:v2+s11+$0x0] =	vst.idx.add.f32.msk $0xffff, v1  }
0x22: {  	[tilespmem:s2], [sflag:$0x1] =	stream.linear.gather [hbm4b:s18+s2], $0x100, $0x38;
	[tilespmem:$0x2980] =	vst v63  }
0x23: {  	_ =	swait.ge [sflag:s12], $0x100  }
0x24: {  	[sflag:s12] =	ssyncset.done $0x0  }
0x25: {  	[sflag:s12] =	ssyncadd.s32 $0xFFFFFF00  }
0x26: {  	v2 =	vld [tilespmem:$0x180];
	_ =	sdelay $0x7  }
0x27: {  	[tilespmem:v2+s11+$0x0] =	vst.idx.add.f32.msk $0xffff, v1  }
0x28: {  	v2 =	vld [tilespmem:$0x190];
	_ =	sdelay $0x7  }
0x29: {  	[tilespmem:v2+s11+$0x0] =	vst.idx.add.f32.msk $0xffff, v1  }
0x2a: {  	v2 =	vld [tilespmem:$0x1A0];
	_ =	sdelay $0x3  }
0x2b: {  	p0 =	sne.s32 s17, $0x1A00  }
.Ltmp1:
0x2c: {  	_ = 	snop;
	(pc) =	sbr.rel @p0 .LBB2_4-.Ltmp1, $3  }
0x2d: {  	_ =	sdelay $0x1  }
0x2e: {  	s31 =	sadd.s32 s17, s7;
	s17 =	sadd.s32 $0x40, s17;
	[tilespmem:v2+s11+$0x0] =	vst.idx.add.f32.msk $0xffff, v1  }
0x2f: {  	[tilespmem:s9], [sflag:$0x2] =	stream.linear.gather [hbm4b:s31+s2], $0x100, $0x38;
	[tilespmem:$0x2980] =	vst v63  }
0x30: {  	_ =	swait.ge [sflag:s10], $0x100  }
0x31: {  	[sflag:s10] =	ssyncset.done $0x0  }
0x32: {  	[sflag:s10] =	ssyncadd.s32 $0xFFFFFF00  }
0x33: {  	s16 =	sadd.s32 $0x1, s16;
	_ =	swait.ge [sflag:s12], $0x100  }
0x34: {  	p0 =	sne.s32 s16, s6;
	[sflag:s12] =	ssyncset.done $0x0  }
.Ltmp2:
0x35: {  	[sflag:s12] =	ssyncadd.s32 $0xFFFFFF00;
	(pc) =	sbr.rel @p0 .LBB2_1-.Ltmp2, $4  }
0x36: {  	[hbm4b:s5+s13] =	stream.strided.scatter [tilespmem:s11], [sflag:$0x3], $0x2780, s14, s13, $0x38;
	[tilespmem:$0x2980] =	vst v63  }
0x37: {  	_ =	swait.ge [sflag:s15], $0x2780  }
0x38: {  	[sflag:s15] =	ssyncset.done $0x0  }
0x39: {  	[sflag:s15] =	ssyncadd.s32 $0xFFFFD880  }
0x3a: {  	_ =	sfence.sel $0x180000  }
0x3b: {  	[bflag:$0x0] =	sbarrier.arrive $0xFFFF  }
0x3c: {  	p0 =	sne.s32 s1, $0x0;
	_ =	strace $0x90000047  }
0x3d: {  	s0 =	sadd.s32 @!p0 $0x100000, s0;
	[bflag:$0x2] =	sbarrier.arrive $0xFFFF  }
0x3e: {  	[sflag:s0] =	ssyncadd.tile.s32 @!p0 $0x1;
	_ =	shalt  }
.Lfunc_end2:
_tile_overlayer_lowered:
.L_overlay_start_2:
0x3f: {  	(tag) =	ssettag $0x2  }
0x40: {  	s0 =	rddreg [dreg:$0x0];
	s2 =	stileid.u32  }
0x41: {  	s1 =	rddreg [dreg:$0x1];
	p0 =	sne.s32 s2, $0x0  }
0x42: {  	s3 =	rddreg [dreg:$0x2];
	[bflag:$0x3] =	sbarrier.arrive $0xFFFF;
	s2 =	simm.s32 @!p0 $0x1C03  }
0x43: {  	[timem:s3], [sflag:s2] =	dma.local @!p0 [hbm:s0], s1  }
0x44: {  	s0 =	simm.s32 @!p0 $0x3  }
0x45: {  	_ =	swait.ge @!p0 [sflag:s0], s1  }
0x46: {  	s1 =	ssub.s32 @!p0 $0x0, s1;
	[sflag:s0] =	ssyncset.done @!p0 $0x0  }
0x47: {  	[sflag:s0] =	ssyncadd.s32 @!p0 s1  }
0x48: {  	[bflag:$0x3] =	sbarrier.arrive $0xFFFF  }
0x49: {  	_ =	shalt  }

</sc_bundles>
